<compile_context>
chip_gen: v7x
topology: tpu7x:2x2x1
jax: 0.10.2.dev20260603
libtpu: 0.0.44.dev20260713+nightly
codegen_flags: <defaults>
</compile_context>

<pallas_src>
import functools

import jax
import jax.numpy as jnp
from jax import lax
from jax.experimental import pallas as pl
from jax.experimental.pallas import tpu as pltpu
from jax.experimental.pallas import tpu_sc as plsc

B = 16384
E = 128
NC = 2
NS = 16
NW = NC * NS
BPW = B // NW
CHUNK = 128
NCHUNK = BPW // CHUNK
GROUPS = CHUNK // 16


def _mf_body(u_hbm, v_hbm, ue_hbm, ie_hbm, ub_hbm, ib_hbm, out_hbm,
             idx_u, idx_v, u_rows, v_rows, bu, bv, res,
             sem_r0, sem_r1, sem_b):
    wid = lax.axis_index("s") * NC + lax.axis_index("c")
    base = wid * BPW

    def fire(c, p, sem):
        sl = pl.ds(c * CHUNK, CHUNK)
        pltpu.async_copy(ue_hbm.at[idx_u.at[sl]], u_rows.at[p], sem)
        pltpu.async_copy(ie_hbm.at[idx_v.at[sl]], v_rows.at[p], sem)

    def drain(p, sem):
        pltpu.make_async_copy(ue_hbm.at[pl.ds(0, CHUNK)], u_rows.at[p], sem).wait()
        pltpu.make_async_copy(ie_hbm.at[pl.ds(0, CHUNK)], v_rows.at[p], sem).wait()

    pltpu.sync_copy(u_hbm.at[pl.ds(base, CHUNK)], idx_u.at[pl.ds(0, CHUNK)])
    pltpu.sync_copy(v_hbm.at[pl.ds(base, CHUNK)], idx_v.at[pl.ds(0, CHUNK)])
    fire(0, 0, sem_r0)
    pltpu.sync_copy(u_hbm.at[pl.ds(base + CHUNK, BPW - CHUNK)],
                    idx_u.at[pl.ds(CHUNK, BPW - CHUNK)])
    pltpu.sync_copy(v_hbm.at[pl.ds(base + CHUNK, BPW - CHUNK)],
                    idx_v.at[pl.ds(CHUNK, BPW - CHUNK)])
    fire(1, 1, sem_r1)

    bias_cps = []
    for c in range(BPW // 128):
        sl = pl.ds(c * 128, 128)
        bias_cps.append(
            pltpu.async_copy(ub_hbm.at[idx_u.at[sl]], bu.at[sl], sem_b))
        bias_cps.append(
            pltpu.async_copy(ib_hbm.at[idx_v.at[sl]], bv.at[sl], sem_b))

    lane = lax.iota(jnp.int32, 16)

    def compute_chunk(c, p):
        def group_body(g, _):
            base_row = g * 16

            def row_body(r, tot):
                row = base_row + r
                acc = (u_rows[p, row, pl.ds(0, 16)]
                       * v_rows[p, row, pl.ds(0, 16)])
                for j in range(1, E // 16):
                    acc = acc + (u_rows[p, row, pl.ds(j * 16, 16)]
                                 * v_rows[p, row, pl.ds(j * 16, 16)])
                return jnp.where(lane == r, jnp.sum(acc), tot)

            tot = lax.fori_loop(0, 16, row_body,
                                jnp.zeros((16,), jnp.float32), unroll=4)
            res[pl.ds(c * CHUNK + base_row, 16)] = tot
            return 0

        lax.fori_loop(0, GROUPS, group_body, 0)

    def super_body(i, _):
        c0 = 2 * i
        drain(0, sem_r0)
        compute_chunk(c0, 0)

        @pl.when(c0 + 2 < NCHUNK)
        def _():
            fire(c0 + 2, 0, sem_r0)

        drain(1, sem_r1)
        compute_chunk(c0 + 1, 1)

        @pl.when(c0 + 3 < NCHUNK)
        def _():
            fire(c0 + 3, 1, sem_r1)

        return 0

    lax.fori_loop(0, NCHUNK // 2, super_body, 0)

    for d in bias_cps:
        d.wait()

    def fin_body(i, _):
        s = pl.ds(i * 16, 16)
        x = res[s] + bu[s] + bv[s]
        res[s] = 1.0 / (1.0 + jnp.exp(-x))
        return 0

    lax.fori_loop(0, BPW // 16, fin_body, 0)
    pltpu.sync_copy(res, out_hbm.at[pl.ds(base, BPW)])


@functools.partial(
    pl.kernel,
    out_type=jax.ShapeDtypeStruct((B,), jnp.float32),
    mesh=plsc.VectorSubcoreMesh(core_axis_name="c", subcore_axis_name="s"),
    compiler_params=pltpu.CompilerParams(needs_layout_passes=False),
    scratch_types=[
        pltpu.VMEM((BPW,), jnp.int32),
        pltpu.VMEM((BPW,), jnp.int32),
        pltpu.VMEM((2, CHUNK, E), jnp.float32),
        pltpu.VMEM((2, CHUNK, E), jnp.float32),
        pltpu.VMEM((BPW,), jnp.float32),
        pltpu.VMEM((BPW,), jnp.float32),
        pltpu.VMEM((BPW,), jnp.float32),
        pltpu.SemaphoreType.DMA,
        pltpu.SemaphoreType.DMA,
        pltpu.SemaphoreType.DMA,
    ],
)
def _mf(*refs):
    _mf_body(*refs)


def kernel(u, v, user_emb_w, item_emb_w, user_bias_w, item_bias_w):
    ub = user_bias_w.reshape((-1,))
    ib = item_bias_w.reshape((-1,))
    return _mf(u.astype(jnp.int32), v.astype(jnp.int32),
               user_emb_w, item_emb_w, ub, ib)

# --- scband reference (transcript-rebuilt; emitter-appended) ---
"""Pipeline reference for scband-mf-6279242187245 (READ-ONLY COPY).

The authoritative reference and input builder live on the scoring server;
editing this copy changes nothing except your own understanding.
"""

import jax, jax.numpy as jnp
import numpy as np

NUM_USERS = 100000
NUM_ITEMS = 100000
EMB_SIZE = 128
BATCH = 16384


def setup_inputs(seed: int = 0) -> dict:
    key = jax.random.key(seed)
    k_u, k_v, k_ue, k_ie, k_ub, k_ib = jax.random.split(key, 6)
    u = jax.random.randint(k_u, (BATCH,), 0, NUM_USERS, dtype=jnp.int64 if jax.config.jax_enable_x64 else jnp.int32)
    v = jax.random.randint(k_v, (BATCH,), 0, NUM_ITEMS, dtype=jnp.int64 if jax.config.jax_enable_x64 else jnp.int32)
    user_emb_w = jax.random.uniform(k_ue, (NUM_USERS, EMB_SIZE), dtype=jnp.float32, minval=0.0, maxval=0.05)
    item_emb_w = jax.random.uniform(k_ie, (NUM_ITEMS, EMB_SIZE), dtype=jnp.float32, minval=0.0, maxval=0.05)
    user_bias_w = jax.random.uniform(k_ub, (NUM_USERS, 1), dtype=jnp.float32, minval=-0.01, maxval=0.01)
    item_bias_w = jax.random.uniform(k_ib, (NUM_ITEMS, 1), dtype=jnp.float32, minval=-0.01, maxval=0.01)
    return {
        "u": u,
        "v": v,
        "user_emb_w": user_emb_w,
        "item_emb_w": item_emb_w,
        "user_bias_w": user_bias_w,
        "item_bias_w": item_bias_w,
    }


def reference(u, v, user_emb_w, item_emb_w, user_bias_w, item_bias_w):
    user_emb = jnp.take(user_emb_w, u, axis=0)          # [B, E]
    item_emb = jnp.take(item_emb_w, v, axis=0)          # [B, E]
    user_bias = jnp.take(user_bias_w, u, axis=0)[:, 0]  # [B] (squeeze)
    item_bias = jnp.take(item_bias_w, v, axis=0)[:, 0]  # [B] (squeeze)
    dot = jnp.sum(user_emb * item_emb, axis=1)          # [B]
    logits = dot + user_bias + item_bias
    return jax.nn.sigmoid(logits)

if __name__ == "__main__":
    import jax
    _d = setup_inputs()
    print(jax.jit(kernel)(*tuple(_d.values())))

</pallas_src>

<mosaic_0001>
#map = affine_map<(d0, d1) -> (0)>
#map1 = affine_map<(d0, d1) -> (0, 0)>
module attributes {stable_mosaic.version = 14 : i64} {
  func.func @_mf(%arg0: i32, %arg1: i32, %arg2: memref<16384xi32, #tpu.memory_space<hbm>>, %arg3: memref<16384xi32, #tpu.memory_space<hbm>>, %arg4: memref<100000x128xf32, #tpu.memory_space<hbm>>, %arg5: memref<100000x128xf32, #tpu.memory_space<hbm>>, %arg6: memref<100000xf32, #tpu.memory_space<hbm>>, %arg7: memref<100000xf32, #tpu.memory_space<hbm>>, %arg8: memref<16384xf32, #tpu.memory_space<hbm>>, %arg9: memref<512xi32, #tpu.memory_space<vmem>>, %arg10: memref<512xi32, #tpu.memory_space<vmem>>, %arg11: memref<2x128x128xf32, #tpu.memory_space<vmem>>, %arg12: memref<2x128x128xf32, #tpu.memory_space<vmem>>, %arg13: memref<512xf32, #tpu.memory_space<vmem>>, %arg14: memref<512xf32, #tpu.memory_space<vmem>>, %arg15: memref<512xf32, #tpu.memory_space<vmem>>, %arg16: memref<!tpu.dma_semaphore, #tpu.memory_space<semaphore_mem>>, %arg17: memref<!tpu.dma_semaphore, #tpu.memory_space<semaphore_mem>>, %arg18: memref<!tpu.dma_semaphore, #tpu.memory_space<semaphore_mem>>) attributes {dimension_semantics = [#tpu.dimension_semantics<core_parallel>, #tpu.dimension_semantics<subcore_parallel>], iteration_bounds = array<i64: 2, 16>, scalar_prefetch = 0 : i64, scratch_operands = 10 : i64, tpu.core_type = #tpu.core_type<sc_vector_subcore>, window_params = [{transform_indices = #map}, {transform_indices = #map}, {transform_indices = #map1}, {transform_indices = #map1}, {transform_indices = #map}, {transform_indices = #map}, {transform_indices = #map}]} {
    %mul3A = arith.constant 2 : i32
    %mul3A_0 = arith.muli %arg1, %mul3A : i32
    %add3A = arith.addi %mul3A_0, %arg0 : i32
    %mul3A_1 = arith.constant 512 : i32
    %mul3A_2 = arith.muli %add3A, %mul3A_1 : i32
    "tpu.region"() ({
      %run_scoped3A = tpu.sem_alloc : memref<!tpu.dma_semaphore, #tpu.memory_space<semaphore_mem>>
      %dma_start3A_154 = arith.constant 0 : i32
      %dma_start3A_155 = tpu.memref_slice %arg9[%dma_start3A_154] : memref<512xi32, #tpu.memory_space<vmem>> -> memref<128xi32, #tpu.memory_space<vmem>>
      %dma_start3A_156 = tpu.memref_slice %arg2[%mul3A_2] : memref<16384xi32, #tpu.memory_space<hbm>> -> memref<128xi32, #tpu.memory_space<hbm>>
      %dma_start3A_157 = arith.constant 0 : i32
      %dma_start3A_158 = tpu.memref_slice %arg9[%dma_start3A_157] : memref<512xi32, #tpu.memory_space<vmem>> -> memref<128xi32, #tpu.memory_space<vmem>>
      %dma_start3A_159 = tpu.memref_slice %arg2[%mul3A_2] : memref<16384xi32, #tpu.memory_space<hbm>> -> memref<128xi32, #tpu.memory_space<hbm>>
      tpu.enqueue_dma source(%dma_start3A_159 : memref<128xi32, #tpu.memory_space<hbm>>) target(%dma_start3A_158 : memref<128xi32, #tpu.memory_space<vmem>>) target_semaphore(%run_scoped3A : memref<!tpu.dma_semaphore, #tpu.memory_space<semaphore_mem>>)
      %dma_wait3A_160 = arith.constant 0 : i32
      %dma_wait3A_161 = tpu.memref_slice %arg9[%dma_wait3A_160] : memref<512xi32, #tpu.memory_space<vmem>> -> memref<128xi32, #tpu.memory_space<vmem>>
      %dma_wait3A_162 = tpu.memref_slice %arg2[%mul3A_2] : memref<16384xi32, #tpu.memory_space<hbm>> -> memref<128xi32, #tpu.memory_space<hbm>>
      %dma_wait3A_163 = arith.constant 0 : i32
      %dma_wait3A_164 = tpu.memref_slice %arg9[%dma_wait3A_163] : memref<512xi32, #tpu.memory_space<vmem>> -> memref<128xi32, #tpu.memory_space<vmem>>
      %dma_wait3A_165 = tpu.memref_slice %arg2[%mul3A_2] : memref<16384xi32, #tpu.memory_space<hbm>> -> memref<128xi32, #tpu.memory_space<hbm>>
      tpu.wait_dma2 semaphore(%run_scoped3A : memref<!tpu.dma_semaphore, #tpu.memory_space<semaphore_mem>>) src(%dma_wait3A_165 : memref<128xi32, #tpu.memory_space<hbm>>) dst(%dma_wait3A_164 : memref<128xi32, #tpu.memory_space<vmem>>)
      tpu.yield
    }) : () -> ()
    "tpu.region"() ({
      %run_scoped3A = tpu.sem_alloc : memref<!tpu.dma_semaphore, #tpu.memory_space<semaphore_mem>>
      %dma_start3A_154 = arith.constant 0 : i32
      %dma_start3A_155 = tpu.memref_slice %arg10[%dma_start3A_154] : memref<512xi32, #tpu.memory_space<vmem>> -> memref<128xi32, #tpu.memory_space<vmem>>
      %dma_start3A_156 = tpu.memref_slice %arg3[%mul3A_2] : memref<16384xi32, #tpu.memory_space<hbm>> -> memref<128xi32, #tpu.memory_space<hbm>>
      %dma_start3A_157 = arith.constant 0 : i32
      %dma_start3A_158 = tpu.memref_slice %arg10[%dma_start3A_157] : memref<512xi32, #tpu.memory_space<vmem>> -> memref<128xi32, #tpu.memory_space<vmem>>
      %dma_start3A_159 = tpu.memref_slice %arg3[%mul3A_2] : memref<16384xi32, #tpu.memory_space<hbm>> -> memref<128xi32, #tpu.memory_space<hbm>>
      tpu.enqueue_dma source(%dma_start3A_159 : memref<128xi32, #tpu.memory_space<hbm>>) target(%dma_start3A_158 : memref<128xi32, #tpu.memory_space<vmem>>) target_semaphore(%run_scoped3A : memref<!tpu.dma_semaphore, #tpu.memory_space<semaphore_mem>>)
      %dma_wait3A_160 = arith.constant 0 : i32
      %dma_wait3A_161 = tpu.memref_slice %arg10[%dma_wait3A_160] : memref<512xi32, #tpu.memory_space<vmem>> -> memref<128xi32, #tpu.memory_space<vmem>>
      %dma_wait3A_162 = tpu.memref_slice %arg3[%mul3A_2] : memref<16384xi32, #tpu.memory_space<hbm>> -> memref<128xi32, #tpu.memory_space<hbm>>
      %dma_wait3A_163 = arith.constant 0 : i32
      %dma_wait3A_164 = tpu.memref_slice %arg10[%dma_wait3A_163] : memref<512xi32, #tpu.memory_space<vmem>> -> memref<128xi32, #tpu.memory_space<vmem>>
      %dma_wait3A_165 = tpu.memref_slice %arg3[%mul3A_2] : memref<16384xi32, #tpu.memory_space<hbm>> -> memref<128xi32, #tpu.memory_space<hbm>>
      tpu.wait_dma2 semaphore(%run_scoped3A : memref<!tpu.dma_semaphore, #tpu.memory_space<semaphore_mem>>) src(%dma_wait3A_165 : memref<128xi32, #tpu.memory_space<hbm>>) dst(%dma_wait3A_164 : memref<128xi32, #tpu.memory_space<vmem>>)
      tpu.yield
    }) : () -> ()
    %dma_start3A = arith.constant 0 : i32
    %dma_start3A_3 = arith.constant 0 : i32
    %dma_start3A_4 = arith.constant 0 : i32
    %dma_start3A_5 = tpu.memref_slice %arg11[%dma_start3A, %dma_start3A_3, %dma_start3A_4] : memref<2x128x128xf32, #tpu.memory_space<vmem>> -> memref<1x128x128xf32, #tpu.memory_space<vmem>>
    %dma_start3A_6 = tpu.memref_squeeze %dma_start3A_5 : memref<1x128x128xf32, #tpu.memory_space<vmem>> -> memref<128x128xf32, #tpu.memory_space<vmem>>
    %dma_start3A_7 = arith.constant 0 : i32
    %dma_start3A_8 = tpu.memref_slice %arg9[%dma_start3A_7] : memref<512xi32, #tpu.memory_space<vmem>> -> memref<128xi32, #tpu.memory_space<vmem>>
    %dma_start3A_9 = arith.constant 0 : i32
    %dma_start3A_10 = arith.constant 0 : i32
    %dma_start3A_11 = tpu.memref_slice %arg4[%dma_start3A_9, %dma_start3A_10] : memref<100000x128xf32, #tpu.memory_space<hbm>> -> memref<100000x128xf32, #tpu.memory_space<hbm>>
    tpu.enqueue_indirect_dma source(%dma_start3A_11 : memref<100000x128xf32, #tpu.memory_space<hbm>>) target(%dma_start3A_6 : memref<128x128xf32, #tpu.memory_space<vmem>>) offsets(%dma_start3A_8 : memref<128xi32, #tpu.memory_space<vmem>>) semaphore(%arg16 : memref<!tpu.dma_semaphore, #tpu.memory_space<semaphore_mem>>)
    %dma_start3A_12 = arith.constant 0 : i32
    %dma_start3A_13 = arith.constant 0 : i32
    %dma_start3A_14 = arith.constant 0 : i32
    %dma_start3A_15 = tpu.memref_slice %arg12[%dma_start3A_12, %dma_start3A_13, %dma_start3A_14] : memref<2x128x128xf32, #tpu.memory_space<vmem>> -> memref<1x128x128xf32, #tpu.memory_space<vmem>>
    %dma_start3A_16 = tpu.memref_squeeze %dma_start3A_15 : memref<1x128x128xf32, #tpu.memory_space<vmem>> -> memref<128x128xf32, #tpu.memory_space<vmem>>
    %dma_start3A_17 = arith.constant 0 : i32
    %dma_start3A_18 = tpu.memref_slice %arg10[%dma_start3A_17] : memref<512xi32, #tpu.memory_space<vmem>> -> memref<128xi32, #tpu.memory_space<vmem>>
    %dma_start3A_19 = arith.constant 0 : i32
    %dma_start3A_20 = arith.constant 0 : i32
    %dma_start3A_21 = tpu.memref_slice %arg5[%dma_start3A_19, %dma_start3A_20] : memref<100000x128xf32, #tpu.memory_space<hbm>> -> memref<100000x128xf32, #tpu.memory_space<hbm>>
    tpu.enqueue_indirect_dma source(%dma_start3A_21 : memref<100000x128xf32, #tpu.memory_space<hbm>>) target(%dma_start3A_16 : memref<128x128xf32, #tpu.memory_space<vmem>>) offsets(%dma_start3A_18 : memref<128xi32, #tpu.memory_space<vmem>>) semaphore(%arg16 : memref<!tpu.dma_semaphore, #tpu.memory_space<semaphore_mem>>)
    %add3A_22 = arith.constant 128 : i32
    %add3A_23 = arith.addi %mul3A_2, %add3A_22 : i32
    "tpu.region"() ({
      %run_scoped3A = tpu.sem_alloc : memref<!tpu.dma_semaphore, #tpu.memory_space<semaphore_mem>>
      %dma_start3A_154 = arith.constant 128 : i32
      %dma_start3A_155 = tpu.memref_slice %arg9[%dma_start3A_154] : memref<512xi32, #tpu.memory_space<vmem>> -> memref<384xi32, #tpu.memory_space<vmem>>
      %dma_start3A_156 = tpu.memref_slice %arg2[%add3A_23] : memref<16384xi32, #tpu.memory_space<hbm>> -> memref<384xi32, #tpu.memory_space<hbm>>
      %dma_start3A_157 = arith.constant 128 : i32
      %dma_start3A_158 = tpu.memref_slice %arg9[%dma_start3A_157] : memref<512xi32, #tpu.memory_space<vmem>> -> memref<384xi32, #tpu.memory_space<vmem>>
      %dma_start3A_159 = tpu.memref_slice %arg2[%add3A_23] : memref<16384xi32, #tpu.memory_space<hbm>> -> memref<384xi32, #tpu.memory_space<hbm>>
      tpu.enqueue_dma source(%dma_start3A_159 : memref<384xi32, #tpu.memory_space<hbm>>) target(%dma_start3A_158 : memref<384xi32, #tpu.memory_space<vmem>>) target_semaphore(%run_scoped3A : memref<!tpu.dma_semaphore, #tpu.memory_space<semaphore_mem>>)
      %dma_wait3A_160 = arith.constant 128 : i32
      %dma_wait3A_161 = tpu.memref_slice %arg9[%dma_wait3A_160] : memref<512xi32, #tpu.memory_space<vmem>> -> memref<384xi32, #tpu.memory_space<vmem>>
      %dma_wait3A_162 = tpu.memref_slice %arg2[%add3A_23] : memref<16384xi32, #tpu.memory_space<hbm>> -> memref<384xi32, #tpu.memory_space<hbm>>
      %dma_wait3A_163 = arith.constant 128 : i32
      %dma_wait3A_164 = tpu.memref_slice %arg9[%dma_wait3A_163] : memref<512xi32, #tpu.memory_space<vmem>> -> memref<384xi32, #tpu.memory_space<vmem>>
      %dma_wait3A_165 = tpu.memref_slice %arg2[%add3A_23] : memref<16384xi32, #tpu.memory_space<hbm>> -> memref<384xi32, #tpu.memory_space<hbm>>
      tpu.wait_dma2 semaphore(%run_scoped3A : memref<!tpu.dma_semaphore, #tpu.memory_space<semaphore_mem>>) src(%dma_wait3A_165 : memref<384xi32, #tpu.memory_space<hbm>>) dst(%dma_wait3A_164 : memref<384xi32, #tpu.memory_space<vmem>>)
      tpu.yield
    }) : () -> ()
    %add3A_24 = arith.constant 128 : i32
    %add3A_25 = arith.addi %mul3A_2, %add3A_24 : i32
    "tpu.region"() ({
      %run_scoped3A = tpu.sem_alloc : memref<!tpu.dma_semaphore, #tpu.memory_space<semaphore_mem>>
      %dma_start3A_154 = arith.constant 128 : i32
      %dma_start3A_155 = tpu.memref_slice %arg10[%dma_start3A_154] : memref<512xi32, #tpu.memory_space<vmem>> -> memref<384xi32, #tpu.memory_space<vmem>>
      %dma_start3A_156 = tpu.memref_slice %arg3[%add3A_25] : memref<16384xi32, #tpu.memory_space<hbm>> -> memref<384xi32, #tpu.memory_space<hbm>>
      %dma_start3A_157 = arith.constant 128 : i32
      %dma_start3A_158 = tpu.memref_slice %arg10[%dma_start3A_157] : memref<512xi32, #tpu.memory_space<vmem>> -> memref<384xi32, #tpu.memory_space<vmem>>
      %dma_start3A_159 = tpu.memref_slice %arg3[%add3A_25] : memref<16384xi32, #tpu.memory_space<hbm>> -> memref<384xi32, #tpu.memory_space<hbm>>
      tpu.enqueue_dma source(%dma_start3A_159 : memref<384xi32, #tpu.memory_space<hbm>>) target(%dma_start3A_158 : memref<384xi32, #tpu.memory_space<vmem>>) target_semaphore(%run_scoped3A : memref<!tpu.dma_semaphore, #tpu.memory_space<semaphore_mem>>)
      %dma_wait3A_160 = arith.constant 128 : i32
      %dma_wait3A_161 = tpu.memref_slice %arg10[%dma_wait3A_160] : memref<512xi32, #tpu.memory_space<vmem>> -> memref<384xi32, #tpu.memory_space<vmem>>
      %dma_wait3A_162 = tpu.memref_slice %arg3[%add3A_25] : memref<16384xi32, #tpu.memory_space<hbm>> -> memref<384xi32, #tpu.memory_space<hbm>>
      %dma_wait3A_163 = arith.constant 128 : i32
      %dma_wait3A_164 = tpu.memref_slice %arg10[%dma_wait3A_163] : memref<512xi32, #tpu.memory_space<vmem>> -> memref<384xi32, #tpu.memory_space<vmem>>
      %dma_wait3A_165 = tpu.memref_slice %arg3[%add3A_25] : memref<16384xi32, #tpu.memory_space<hbm>> -> memref<384xi32, #tpu.memory_space<hbm>>
      tpu.wait_dma2 semaphore(%run_scoped3A : memref<!tpu.dma_semaphore, #tpu.memory_space<semaphore_mem>>) src(%dma_wait3A_165 : memref<384xi32, #tpu.memory_space<hbm>>) dst(%dma_wait3A_164 : memref<384xi32, #tpu.memory_space<vmem>>)
      tpu.yield
    }) : () -> ()
    %dma_start3A_26 = arith.constant 1 : i32
    %dma_start3A_27 = arith.constant 0 : i32
    %dma_start3A_28 = arith.constant 0 : i32
    %dma_start3A_29 = tpu.memref_slice %arg11[%dma_start3A_26, %dma_start3A_27, %dma_start3A_28] : memref<2x128x128xf32, #tpu.memory_space<vmem>> -> memref<1x128x128xf32, #tpu.memory_space<vmem>>
    %dma_start3A_30 = tpu.memref_squeeze %dma_start3A_29 : memref<1x128x128xf32, #tpu.memory_space<vmem>> -> memref<128x128xf32, #tpu.memory_space<vmem>>
    %dma_start3A_31 = arith.constant 128 : i32
    %dma_start3A_32 = tpu.memref_slice %arg9[%dma_start3A_31] : memref<512xi32, #tpu.memory_space<vmem>> -> memref<128xi32, #tpu.memory_space<vmem>>
    %dma_start3A_33 = arith.constant 0 : i32
    %dma_start3A_34 = arith.constant 0 : i32
    %dma_start3A_35 = tpu.memref_slice %arg4[%dma_start3A_33, %dma_start3A_34] : memref<100000x128xf32, #tpu.memory_space<hbm>> -> memref<100000x128xf32, #tpu.memory_space<hbm>>
    tpu.enqueue_indirect_dma source(%dma_start3A_35 : memref<100000x128xf32, #tpu.memory_space<hbm>>) target(%dma_start3A_30 : memref<128x128xf32, #tpu.memory_space<vmem>>) offsets(%dma_start3A_32 : memref<128xi32, #tpu.memory_space<vmem>>) semaphore(%arg17 : memref<!tpu.dma_semaphore, #tpu.memory_space<semaphore_mem>>)
    %dma_start3A_36 = arith.constant 1 : i32
    %dma_start3A_37 = arith.constant 0 : i32
    %dma_start3A_38 = arith.constant 0 : i32
    %dma_start3A_39 = tpu.memref_slice %arg12[%dma_start3A_36, %dma_start3A_37, %dma_start3A_38] : memref<2x128x128xf32, #tpu.memory_space<vmem>> -> memref<1x128x128xf32, #tpu.memory_space<vmem>>
    %dma_start3A_40 = tpu.memref_squeeze %dma_start3A_39 : memref<1x128x128xf32, #tpu.memory_space<vmem>> -> memref<128x128xf32, #tpu.memory_space<vmem>>
    %dma_start3A_41 = arith.constant 128 : i32
    %dma_start3A_42 = tpu.memref_slice %arg10[%dma_start3A_41] : memref<512xi32, #tpu.memory_space<vmem>> -> memref<128xi32, #tpu.memory_space<vmem>>
    %dma_start3A_43 = arith.constant 0 : i32
    %dma_start3A_44 = arith.constant 0 : i32
    %dma_start3A_45 = tpu.memref_slice %arg5[%dma_start3A_43, %dma_start3A_44] : memref<100000x128xf32, #tpu.memory_space<hbm>> -> memref<100000x128xf32, #tpu.memory_space<hbm>>
    tpu.enqueue_indirect_dma source(%dma_start3A_45 : memref<100000x128xf32, #tpu.memory_space<hbm>>) target(%dma_start3A_40 : memref<128x128xf32, #tpu.memory_space<vmem>>) offsets(%dma_start3A_42 : memref<128xi32, #tpu.memory_space<vmem>>) semaphore(%arg17 : memref<!tpu.dma_semaphore, #tpu.memory_space<semaphore_mem>>)
    %dma_start3A_46 = arith.constant 0 : i32
    %dma_start3A_47 = tpu.memref_slice %arg13[%dma_start3A_46] : memref<512xf32, #tpu.memory_space<vmem>> -> memref<128xf32, #tpu.memory_space<vmem>>
    %dma_start3A_48 = arith.constant 0 : i32
    %dma_start3A_49 = tpu.memref_slice %arg9[%dma_start3A_48] : memref<512xi32, #tpu.memory_space<vmem>> -> memref<128xi32, #tpu.memory_space<vmem>>
    %dma_start3A_50 = arith.constant 0 : i32
    %dma_start3A_51 = tpu.memref_slice %arg6[%dma_start3A_50] : memref<100000xf32, #tpu.memory_space<hbm>> -> memref<100000xf32, #tpu.memory_space<hbm>>
    tpu.enqueue_indirect_dma source(%dma_start3A_51 : memref<100000xf32, #tpu.memory_space<hbm>>) target(%dma_start3A_47 : memref<128xf32, #tpu.memory_space<vmem>>) offsets(%dma_start3A_49 : memref<128xi32, #tpu.memory_space<vmem>>) semaphore(%arg18 : memref<!tpu.dma_semaphore, #tpu.memory_space<semaphore_mem>>)
    %dma_start3A_52 = arith.constant 0 : i32
    %dma_start3A_53 = tpu.memref_slice %arg14[%dma_start3A_52] : memref<512xf32, #tpu.memory_space<vmem>> -> memref<128xf32, #tpu.memory_space<vmem>>
    %dma_start3A_54 = arith.constant 0 : i32
    %dma_start3A_55 = tpu.memref_slice %arg10[%dma_start3A_54] : memref<512xi32, #tpu.memory_space<vmem>> -> memref<128xi32, #tpu.memory_space<vmem>>
    %dma_start3A_56 = arith.constant 0 : i32
    %dma_start3A_57 = tpu.memref_slice %arg7[%dma_start3A_56] : memref<100000xf32, #tpu.memory_space<hbm>> -> memref<100000xf32, #tpu.memory_space<hbm>>
    tpu.enqueue_indirect_dma source(%dma_start3A_57 : memref<100000xf32, #tpu.memory_space<hbm>>) target(%dma_start3A_53 : memref<128xf32, #tpu.memory_space<vmem>>) offsets(%dma_start3A_55 : memref<128xi32, #tpu.memory_space<vmem>>) semaphore(%arg18 : memref<!tpu.dma_semaphore, #tpu.memory_space<semaphore_mem>>)
    %dma_start3A_58 = arith.constant 128 : i32
    %dma_start3A_59 = tpu.memref_slice %arg13[%dma_start3A_58] : memref<512xf32, #tpu.memory_space<vmem>> -> memref<128xf32, #tpu.memory_space<vmem>>
    %dma_start3A_60 = arith.constant 128 : i32
    %dma_start3A_61 = tpu.memref_slice %arg9[%dma_start3A_60] : memref<512xi32, #tpu.memory_space<vmem>> -> memref<128xi32, #tpu.memory_space<vmem>>
    %dma_start3A_62 = arith.constant 0 : i32
    %dma_start3A_63 = tpu.memref_slice %arg6[%dma_start3A_62] : memref<100000xf32, #tpu.memory_space<hbm>> -> memref<100000xf32, #tpu.memory_space<hbm>>
    tpu.enqueue_indirect_dma source(%dma_start3A_63 : memref<100000xf32, #tpu.memory_space<hbm>>) target(%dma_start3A_59 : memref<128xf32, #tpu.memory_space<vmem>>) offsets(%dma_start3A_61 : memref<128xi32, #tpu.memory_space<vmem>>) semaphore(%arg18 : memref<!tpu.dma_semaphore, #tpu.memory_space<semaphore_mem>>)
    %dma_start3A_64 = arith.constant 128 : i32
    %dma_start3A_65 = tpu.memref_slice %arg14[%dma_start3A_64] : memref<512xf32, #tpu.memory_space<vmem>> -> memref<128xf32, #tpu.memory_space<vmem>>
    %dma_start3A_66 = arith.constant 128 : i32
    %dma_start3A_67 = tpu.memref_slice %arg10[%dma_start3A_66] : memref<512xi32, #tpu.memory_space<vmem>> -> memref<128xi32, #tpu.memory_space<vmem>>
    %dma_start3A_68 = arith.constant 0 : i32
    %dma_start3A_69 = tpu.memref_slice %arg7[%dma_start3A_68] : memref<100000xf32, #tpu.memory_space<hbm>> -> memref<100000xf32, #tpu.memory_space<hbm>>
    tpu.enqueue_indirect_dma source(%dma_start3A_69 : memref<100000xf32, #tpu.memory_space<hbm>>) target(%dma_start3A_65 : memref<128xf32, #tpu.memory_space<vmem>>) offsets(%dma_start3A_67 : memref<128xi32, #tpu.memory_space<vmem>>) semaphore(%arg18 : memref<!tpu.dma_semaphore, #tpu.memory_space<semaphore_mem>>)
    %dma_start3A_70 = arith.constant 256 : i32
    %dma_start3A_71 = tpu.memref_slice %arg13[%dma_start3A_70] : memref<512xf32, #tpu.memory_space<vmem>> -> memref<128xf32, #tpu.memory_space<vmem>>
    %dma_start3A_72 = arith.constant 256 : i32
    %dma_start3A_73 = tpu.memref_slice %arg9[%dma_start3A_72] : memref<512xi32, #tpu.memory_space<vmem>> -> memref<128xi32, #tpu.memory_space<vmem>>
    %dma_start3A_74 = arith.constant 0 : i32
    %dma_start3A_75 = tpu.memref_slice %arg6[%dma_start3A_74] : memref<100000xf32, #tpu.memory_space<hbm>> -> memref<100000xf32, #tpu.memory_space<hbm>>
    tpu.enqueue_indirect_dma source(%dma_start3A_75 : memref<100000xf32, #tpu.memory_space<hbm>>) target(%dma_start3A_71 : memref<128xf32, #tpu.memory_space<vmem>>) offsets(%dma_start3A_73 : memref<128xi32, #tpu.memory_space<vmem>>) semaphore(%arg18 : memref<!tpu.dma_semaphore, #tpu.memory_space<semaphore_mem>>)
    %dma_start3A_76 = arith.constant 256 : i32
    %dma_start3A_77 = tpu.memref_slice %arg14[%dma_start3A_76] : memref<512xf32, #tpu.memory_space<vmem>> -> memref<128xf32, #tpu.memory_space<vmem>>
    %dma_start3A_78 = arith.constant 256 : i32
    %dma_start3A_79 = tpu.memref_slice %arg10[%dma_start3A_78] : memref<512xi32, #tpu.memory_space<vmem>> -> memref<128xi32, #tpu.memory_space<vmem>>
    %dma_start3A_80 = arith.constant 0 : i32
    %dma_start3A_81 = tpu.memref_slice %arg7[%dma_start3A_80] : memref<100000xf32, #tpu.memory_space<hbm>> -> memref<100000xf32, #tpu.memory_space<hbm>>
    tpu.enqueue_indirect_dma source(%dma_start3A_81 : memref<100000xf32, #tpu.memory_space<hbm>>) target(%dma_start3A_77 : memref<128xf32, #tpu.memory_space<vmem>>) offsets(%dma_start3A_79 : memref<128xi32, #tpu.memory_space<vmem>>) semaphore(%arg18 : memref<!tpu.dma_semaphore, #tpu.memory_space<semaphore_mem>>)
    %dma_start3A_82 = arith.constant 384 : i32
    %dma_start3A_83 = tpu.memref_slice %arg13[%dma_start3A_82] : memref<512xf32, #tpu.memory_space<vmem>> -> memref<128xf32, #tpu.memory_space<vmem>>
    %dma_start3A_84 = arith.constant 384 : i32
    %dma_start3A_85 = tpu.memref_slice %arg9[%dma_start3A_84] : memref<512xi32, #tpu.memory_space<vmem>> -> memref<128xi32, #tpu.memory_space<vmem>>
    %dma_start3A_86 = arith.constant 0 : i32
    %dma_start3A_87 = tpu.memref_slice %arg6[%dma_start3A_86] : memref<100000xf32, #tpu.memory_space<hbm>> -> memref<100000xf32, #tpu.memory_space<hbm>>
    tpu.enqueue_indirect_dma source(%dma_start3A_87 : memref<100000xf32, #tpu.memory_space<hbm>>) target(%dma_start3A_83 : memref<128xf32, #tpu.memory_space<vmem>>) offsets(%dma_start3A_85 : memref<128xi32, #tpu.memory_space<vmem>>) semaphore(%arg18 : memref<!tpu.dma_semaphore, #tpu.memory_space<semaphore_mem>>)
    %dma_start3A_88 = arith.constant 384 : i32
    %dma_start3A_89 = tpu.memref_slice %arg14[%dma_start3A_88] : memref<512xf32, #tpu.memory_space<vmem>> -> memref<128xf32, #tpu.memory_space<vmem>>
    %dma_start3A_90 = arith.constant 384 : i32
    %dma_start3A_91 = tpu.memref_slice %arg10[%dma_start3A_90] : memref<512xi32, #tpu.memory_space<vmem>> -> memref<128xi32, #tpu.memory_space<vmem>>
    %dma_start3A_92 = arith.constant 0 : i32
    %dma_start3A_93 = tpu.memref_slice %arg7[%dma_start3A_92] : memref<100000xf32, #tpu.memory_space<hbm>> -> memref<100000xf32, #tpu.memory_space<hbm>>
    tpu.enqueue_indirect_dma source(%dma_start3A_93 : memref<100000xf32, #tpu.memory_space<hbm>>) target(%dma_start3A_89 : memref<128xf32, #tpu.memory_space<vmem>>) offsets(%dma_start3A_91 : memref<128xi32, #tpu.memory_space<vmem>>) semaphore(%arg18 : memref<!tpu.dma_semaphore, #tpu.memory_space<semaphore_mem>>)
    %iota3A = tpu.iota {dimensions = array<i32: 0>} : vector<16xi32>
    %scan3A = arith.constant 0 : i32
    %scan3A_94 = arith.constant 0 : i32
    %scan3A_95 = arith.constant 2 : i32
    %scan3A_96 = arith.addi %scan3A_94, %scan3A_95 : i32
    %scan3A_97 = arith.constant 1 : i32
    %scan3A_98 = scf.for %scan3A_154 = %scan3A_94 to %scan3A_96 step %scan3A_97 iter_args(%scan3A_155 = %scan3A) -> (i32)  : i32 {
      %mul3A_156 = arith.constant 2 : i32
      %mul3A_157 = arith.muli %mul3A_156, %scan3A_154 : i32
      %dma_wait3A_158 = arith.constant 0 : i32
      %dma_wait3A_159 = arith.constant 0 : i32
      %dma_wait3A_160 = arith.constant 0 : i32
      %dma_wait3A_161 = tpu.memref_slice %arg11[%dma_wait3A_158, %dma_wait3A_159, %dma_wait3A_160] : memref<2x128x128xf32, #tpu.memory_space<vmem>> -> memref<1x128x128xf32, #tpu.memory_space<vmem>>
      %dma_wait3A_162 = tpu.memref_squeeze %dma_wait3A_161 : memref<1x128x128xf32, #tpu.memory_space<vmem>> -> memref<128x128xf32, #tpu.memory_space<vmem>>
      %dma_wait3A_163 = arith.constant 0 : i32
      %dma_wait3A_164 = arith.constant 0 : i32
      %dma_wait3A_165 = tpu.memref_slice %arg4[%dma_wait3A_163, %dma_wait3A_164] : memref<100000x128xf32, #tpu.memory_space<hbm>> -> memref<128x128xf32, #tpu.memory_space<hbm>>
      %dma_wait3A_166 = arith.constant 0 : i32
      %dma_wait3A_167 = arith.constant 0 : i32
      %dma_wait3A_168 = tpu.memref_slice %arg11[%dma_wait3A_158, %dma_wait3A_166, %dma_wait3A_167] : memref<2x128x128xf32, #tpu.memory_space<vmem>> -> memref<1x128x128xf32, #tpu.memory_space<vmem>>
      %dma_wait3A_169 = tpu.memref_squeeze %dma_wait3A_168 : memref<1x128x128xf32, #tpu.memory_space<vmem>> -> memref<128x128xf32, #tpu.memory_space<vmem>>
      %dma_wait3A_170 = arith.constant 0 : i32
      %dma_wait3A_171 = arith.constant 0 : i32
      %dma_wait3A_172 = tpu.memref_slice %arg4[%dma_wait3A_170, %dma_wait3A_171] : memref<100000x128xf32, #tpu.memory_space<hbm>> -> memref<128x128xf32, #tpu.memory_space<hbm>>
      tpu.wait_dma2 semaphore(%arg16 : memref<!tpu.dma_semaphore, #tpu.memory_space<semaphore_mem>>) src(%dma_wait3A_172 : memref<128x128xf32, #tpu.memory_space<hbm>>) dst(%dma_wait3A_169 : memref<128x128xf32, #tpu.memory_space<vmem>>)
      %dma_wait3A_173 = arith.constant 0 : i32
      %dma_wait3A_174 = arith.constant 0 : i32
      %dma_wait3A_175 = arith.constant 0 : i32
      %dma_wait3A_176 = tpu.memref_slice %arg12[%dma_wait3A_173, %dma_wait3A_174, %dma_wait3A_175] : memref<2x128x128xf32, #tpu.memory_space<vmem>> -> memref<1x128x128xf32, #tpu.memory_space<vmem>>
      %dma_wait3A_177 = tpu.memref_squeeze %dma_wait3A_176 : memref<1x128x128xf32, #tpu.memory_space<vmem>> -> memref<128x128xf32, #tpu.memory_space<vmem>>
      %dma_wait3A_178 = arith.constant 0 : i32
      %dma_wait3A_179 = arith.constant 0 : i32
      %dma_wait3A_180 = tpu.memref_slice %arg5[%dma_wait3A_178, %dma_wait3A_179] : memref<100000x128xf32, #tpu.memory_space<hbm>> -> memref<128x128xf32, #tpu.memory_space<hbm>>
      %dma_wait3A_181 = arith.constant 0 : i32
      %dma_wait3A_182 = arith.constant 0 : i32
      %dma_wait3A_183 = tpu.memref_slice %arg12[%dma_wait3A_173, %dma_wait3A_181, %dma_wait3A_182] : memref<2x128x128xf32, #tpu.memory_space<vmem>> -> memref<1x128x128xf32, #tpu.memory_space<vmem>>
      %dma_wait3A_184 = tpu.memref_squeeze %dma_wait3A_183 : memref<1x128x128xf32, #tpu.memory_space<vmem>> -> memref<128x128xf32, #tpu.memory_space<vmem>>
      %dma_wait3A_185 = arith.constant 0 : i32
      %dma_wait3A_186 = arith.constant 0 : i32
      %dma_wait3A_187 = tpu.memref_slice %arg5[%dma_wait3A_185, %dma_wait3A_186] : memref<100000x128xf32, #tpu.memory_space<hbm>> -> memref<128x128xf32, #tpu.memory_space<hbm>>
      tpu.wait_dma2 semaphore(%arg16 : memref<!tpu.dma_semaphore, #tpu.memory_space<semaphore_mem>>) src(%dma_wait3A_187 : memref<128x128xf32, #tpu.memory_space<hbm>>) dst(%dma_wait3A_184 : memref<128x128xf32, #tpu.memory_space<vmem>>)
      %scan3A_188 = arith.constant 0 : i32
      %scan3A_189 = arith.constant 0 : i32
      %scan3A_190 = arith.constant 8 : i32
      %scan3A_191 = arith.addi %scan3A_189, %scan3A_190 : i32
      %scan3A_192 = arith.constant 1 : i32
      %scan3A_193 = scf.for %scan3A_246 = %scan3A_189 to %scan3A_191 step %scan3A_192 iter_args(%scan3A_247 = %scan3A_188) -> (i32)  : i32 {
        %mul3A_248 = arith.constant 16 : i32
        %mul3A_249 = arith.muli %scan3A_246, %mul3A_248 : i32
        %broadcast_in_dim3A = arith.constant 0.000000e+00 : f32
        %broadcast_in_dim3A_250 = vector.broadcast %broadcast_in_dim3A : f32 to vector<16xf32>
        %scan3A_251 = arith.constant 0 : i32
        %scan3A_252 = arith.constant 16 : i32
        %scan3A_253 = arith.addi %scan3A_251, %scan3A_252 : i32
        %scan3A_254 = arith.constant 4 : i32
        %scan3A_255 = scf.for %scan3A_262 = %scan3A_251 to %scan3A_253 step %scan3A_254 iter_args(%scan3A_263 = %broadcast_in_dim3A_250) -> (vector<16xf32>)  : i32 {
          %add3A_264 = arith.addi %mul3A_249, %scan3A_262 : i32
          %get3A = arith.constant 0 : i32
          %get3A_265 = arith.index_cast %get3A : i32 to index
          %get3A_266 = arith.index_cast %add3A_264 : i32 to index
          %get3A_267 = arith.constant 0 : index
          %get3A_268 = tpu.vector_load %arg11[%get3A_265, %get3A_266, %get3A_267] {strides = array<i32>} : memref<2x128x128xf32, #tpu.memory_space<vmem>>, vector<16xf32>,
          %get3A_269 = arith.constant 0 : i32
          %get3A_270 = arith.index_cast %get3A_269 : i32 to index
          %get3A_271 = arith.index_cast %add3A_264 : i32 to index
          %get3A_272 = arith.constant 0 : index
          %get3A_273 = tpu.vector_load %arg12[%get3A_270, %get3A_271, %get3A_272] {strides = array<i32>} : memref<2x128x128xf32, #tpu.memory_space<vmem>>, vector<16xf32>,
          %mul3A_274 = arith.mulf %get3A_268, %get3A_273 : vector<16xf32>
          %get3A_275 = arith.constant 0 : i32
          %get3A_276 = arith.index_cast %get3A_275 : i32 to index
          %get3A_277 = arith.index_cast %add3A_264 : i32 to index
          %get3A_278 = arith.constant 16 : index
          %get3A_279 = tpu.vector_load %arg11[%get3A_276, %get3A_277, %get3A_278] {strides = array<i32>} : memref<2x128x128xf32, #tpu.memory_space<vmem>>, vector<16xf32>,
          %get3A_280 = arith.constant 0 : i32
          %get3A_281 = arith.index_cast %get3A_280 : i32 to index
          %get3A_282 = arith.index_cast %add3A_264 : i32 to index
          %get3A_283 = arith.constant 16 : index
          %get3A_284 = tpu.vector_load %arg12[%get3A_281, %get3A_282, %get3A_283] {strides = array<i32>} : memref<2x128x128xf32, #tpu.memory_space<vmem>>, vector<16xf32>,
          %mul3A_285 = arith.mulf %get3A_279, %get3A_284 : vector<16xf32>
          %add3A_286 = arith.addf %mul3A_274, %mul3A_285 : vector<16xf32>
          %get3A_287 = arith.constant 0 : i32
          %get3A_288 = arith.index_cast %get3A_287 : i32 to index
          %get3A_289 = arith.index_cast %add3A_264 : i32 to index
          %get3A_290 = arith.constant 32 : index
          %get3A_291 = tpu.vector_load %arg11[%get3A_288, %get3A_289, %get3A_290] {strides = array<i32>} : memref<2x128x128xf32, #tpu.memory_space<vmem>>, vector<16xf32>,
          %get3A_292 = arith.constant 0 : i32
          %get3A_293 = arith.index_cast %get3A_292 : i32 to index
          %get3A_294 = arith.index_cast %add3A_264 : i32 to index
          %get3A_295 = arith.constant 32 : index
          %get3A_296 = tpu.vector_load %arg12[%get3A_293, %get3A_294, %get3A_295] {strides = array<i32>} : memref<2x128x128xf32, #tpu.memory_space<vmem>>, vector<16xf32>,
          %mul3A_297 = arith.mulf %get3A_291, %get3A_296 : vector<16xf32>
          %add3A_298 = arith.addf %add3A_286, %mul3A_297 : vector<16xf32>
          %get3A_299 = arith.constant 0 : i32
          %get3A_300 = arith.index_cast %get3A_299 : i32 to index
          %get3A_301 = arith.index_cast %add3A_264 : i32 to index
          %get3A_302 = arith.constant 48 : index
          %get3A_303 = tpu.vector_load %arg11[%get3A_300, %get3A_301, %get3A_302] {strides = array<i32>} : memref<2x128x128xf32, #tpu.memory_space<vmem>>, vector<16xf32>,
          %get3A_304 = arith.constant 0 : i32
          %get3A_305 = arith.index_cast %get3A_304 : i32 to index
          %get3A_306 = arith.index_cast %add3A_264 : i32 to index
          %get3A_307 = arith.constant 48 : index
          %get3A_308 = tpu.vector_load %arg12[%get3A_305, %get3A_306, %get3A_307] {strides = array<i32>} : memref<2x128x128xf32, #tpu.memory_space<vmem>>, vector<16xf32>,
          %mul3A_309 = arith.mulf %get3A_303, %get3A_308 : vector<16xf32>
          %add3A_310 = arith.addf %add3A_298, %mul3A_309 : vector<16xf32>
          %get3A_311 = arith.constant 0 : i32
          %get3A_312 = arith.index_cast %get3A_311 : i32 to index
          %get3A_313 = arith.index_cast %add3A_264 : i32 to index
          %get3A_314 = arith.constant 64 : index
          %get3A_315 = tpu.vector_load %arg11[%get3A_312, %get3A_313, %get3A_314] {strides = array<i32>} : memref<2x128x128xf32, #tpu.memory_space<vmem>>, vector<16xf32>,
          %get3A_316 = arith.constant 0 : i32
          %get3A_317 = arith.index_cast %get3A_316 : i32 to index
          %get3A_318 = arith.index_cast %add3A_264 : i32 to index
          %get3A_319 = arith.constant 64 : index
          %get3A_320 = tpu.vector_load %arg12[%get3A_317, %get3A_318, %get3A_319] {strides = array<i32>} : memref<2x128x128xf32, #tpu.memory_space<vmem>>, vector<16xf32>,
          %mul3A_321 = arith.mulf %get3A_315, %get3A_320 : vector<16xf32>
          %add3A_322 = arith.addf %add3A_310, %mul3A_321 : vector<16xf32>
          %get3A_323 = arith.constant 0 : i32
          %get3A_324 = arith.index_cast %get3A_323 : i32 to index
          %get3A_325 = arith.index_cast %add3A_264 : i32 to index
          %get3A_326 = arith.constant 80 : index
          %get3A_327 = tpu.vector_load %arg11[%get3A_324, %get3A_325, %get3A_326] {strides = array<i32>} : memref<2x128x128xf32, #tpu.memory_space<vmem>>, vector<16xf32>,
          %get3A_328 = arith.constant 0 : i32
          %get3A_329 = arith.index_cast %get3A_328 : i32 to index
          %get3A_330 = arith.index_cast %add3A_264 : i32 to index
          %get3A_331 = arith.constant 80 : index
          %get3A_332 = tpu.vector_load %arg12[%get3A_329, %get3A_330, %get3A_331] {strides = array<i32>} : memref<2x128x128xf32, #tpu.memory_space<vmem>>, vector<16xf32>,
          %mul3A_333 = arith.mulf %get3A_327, %get3A_332 : vector<16xf32>
          %add3A_334 = arith.addf %add3A_322, %mul3A_333 : vector<16xf32>
          %get3A_335 = arith.constant 0 : i32
          %get3A_336 = arith.index_cast %get3A_335 : i32 to index
          %get3A_337 = arith.index_cast %add3A_264 : i32 to index
          %get3A_338 = arith.constant 96 : index
          %get3A_339 = tpu.vector_load %arg11[%get3A_336, %get3A_337, %get3A_338] {strides = array<i32>} : memref<2x128x128xf32, #tpu.memory_space<vmem>>, vector<16xf32>,
          %get3A_340 = arith.constant 0 : i32
          %get3A_341 = arith.index_cast %get3A_340 : i32 to index
          %get3A_342 = arith.index_cast %add3A_264 : i32 to index
          %get3A_343 = arith.constant 96 : index
          %get3A_344 = tpu.vector_load %arg12[%get3A_341, %get3A_342, %get3A_343] {strides = array<i32>} : memref<2x128x128xf32, #tpu.memory_space<vmem>>, vector<16xf32>,
          %mul3A_345 = arith.mulf %get3A_339, %get3A_344 : vector<16xf32>
          %add3A_346 = arith.addf %add3A_334, %mul3A_345 : vector<16xf32>
          %get3A_347 = arith.constant 0 : i32
          %get3A_348 = arith.index_cast %get3A_347 : i32 to index
          %get3A_349 = arith.index_cast %add3A_264 : i32 to index
          %get3A_350 = arith.constant 112 : index
          %get3A_351 = tpu.vector_load %arg11[%get3A_348, %get3A_349, %get3A_350] {strides = array<i32>} : memref<2x128x128xf32, #tpu.memory_space<vmem>>, vector<16xf32>,
          %get3A_352 = arith.constant 0 : i32
          %get3A_353 = arith.index_cast %get3A_352 : i32 to index
          %get3A_354 = arith.index_cast %add3A_264 : i32 to index
          %get3A_355 = arith.constant 112 : index
          %get3A_356 = tpu.vector_load %arg12[%get3A_353, %get3A_354, %get3A_355] {strides = array<i32>} : memref<2x128x128xf32, #tpu.memory_space<vmem>>, vector<16xf32>,
          %mul3A_357 = arith.mulf %get3A_351, %get3A_356 : vector<16xf32>
          %add3A_358 = arith.addf %add3A_346, %mul3A_357 : vector<16xf32>
          %eq3A = vector.broadcast %scan3A_262 : i32 to vector<16xi32>
          %eq3A_359 = arith.cmpi eq, %iota3A, %eq3A : vector<16xi32>
          %reduce_sum3A = arith.constant true
          %reduce_sum3A_360 = vector.broadcast %reduce_sum3A : i1 to vector<16xi1>
          %reduce_sum3A_361 = tpu.scan <sum>, %add3A_358 masked %reduce_sum3A_360 : vector<16xf32>, vector<16xi1> -> vector<16xf32>
          %reduce_sum3A_362 = vector.extract %reduce_sum3A_361[15] : f32 from vector<16xf32>
          %broadcast_in_dim3A_363 = vector.broadcast %reduce_sum3A_362 : f32 to vector<16xf32>
          %select_n3A = arith.select %eq3A_359, %broadcast_in_dim3A_363, %scan3A_263 : vector<16xi1>, vector<16xf32>
          %scan3A_364 = arith.constant 1 : i32
          %scan3A_365 = arith.addi %scan3A_262, %scan3A_364 : i32
          %add3A_366 = arith.addi %mul3A_249, %scan3A_365 : i32
          %get3A_367 = arith.constant 0 : i32
          %get3A_368 = arith.index_cast %get3A_367 : i32 to index
          %get3A_369 = arith.index_cast %add3A_366 : i32 to index
          %get3A_370 = arith.constant 0 : index
          %get3A_371 = tpu.vector_load %arg11[%get3A_368, %get3A_369, %get3A_370] {strides = array<i32>} : memref<2x128x128xf32, #tpu.memory_space<vmem>>, vector<16xf32>,
          %get3A_372 = arith.constant 0 : i32
          %get3A_373 = arith.index_cast %get3A_372 : i32 to index
          %get3A_374 = arith.index_cast %add3A_366 : i32 to index
          %get3A_375 = arith.constant 0 : index
          %get3A_376 = tpu.vector_load %arg12[%get3A_373, %get3A_374, %get3A_375] {strides = array<i32>} : memref<2x128x128xf32, #tpu.memory_space<vmem>>, vector<16xf32>,
          %mul3A_377 = arith.mulf %get3A_371, %get3A_376 : vector<16xf32>
          %get3A_378 = arith.constant 0 : i32
          %get3A_379 = arith.index_cast %get3A_378 : i32 to index
          %get3A_380 = arith.index_cast %add3A_366 : i32 to index
          %get3A_381 = arith.constant 16 : index
          %get3A_382 = tpu.vector_load %arg11[%get3A_379, %get3A_380, %get3A_381] {strides = array<i32>} : memref<2x128x128xf32, #tpu.memory_space<vmem>>, vector<16xf32>,
          %get3A_383 = arith.constant 0 : i32
          %get3A_384 = arith.index_cast %get3A_383 : i32 to index
          %get3A_385 = arith.index_cast %add3A_366 : i32 to index
          %get3A_386 = arith.constant 16 : index
          %get3A_387 = tpu.vector_load %arg12[%get3A_384, %get3A_385, %get3A_386] {strides = array<i32>} : memref<2x128x128xf32, #tpu.memory_space<vmem>>, vector<16xf32>,
          %mul3A_388 = arith.mulf %get3A_382, %get3A_387 : vector<16xf32>
          %add3A_389 = arith.addf %mul3A_377, %mul3A_388 : vector<16xf32>
          %get3A_390 = arith.constant 0 : i32
          %get3A_391 = arith.index_cast %get3A_390 : i32 to index
          %get3A_392 = arith.index_cast %add3A_366 : i32 to index
          %get3A_393 = arith.constant 32 : index
          %get3A_394 = tpu.vector_load %arg11[%get3A_391, %get3A_392, %get3A_393] {strides = array<i32>} : memref<2x128x128xf32, #tpu.memory_space<vmem>>, vector<16xf32>,
          %get3A_395 = arith.constant 0 : i32
          %get3A_396 = arith.index_cast %get3A_395 : i32 to index
          %get3A_397 = arith.index_cast %add3A_366 : i32 to index
          %get3A_398 = arith.constant 32 : index
          %get3A_399 = tpu.vector_load %arg12[%get3A_396, %get3A_397, %get3A_398] {strides = array<i32>} : memref<2x128x128xf32, #tpu.memory_space<vmem>>, vector<16xf32>,
          %mul3A_400 = arith.mulf %get3A_394, %get3A_399 : vector<16xf32>
          %add3A_401 = arith.addf %add3A_389, %mul3A_400 : vector<16xf32>
          %get3A_402 = arith.constant 0 : i32
          %get3A_403 = arith.index_cast %get3A_402 : i32 to index
          %get3A_404 = arith.index_cast %add3A_366 : i32 to index
          %get3A_405 = arith.constant 48 : index
          %get3A_406 = tpu.vector_load %arg11[%get3A_403, %get3A_404, %get3A_405] {strides = array<i32>} : memref<2x128x128xf32, #tpu.memory_space<vmem>>, vector<16xf32>,
          %get3A_407 = arith.constant 0 : i32
          %get3A_408 = arith.index_cast %get3A_407 : i32 to index
          %get3A_409 = arith.index_cast %add3A_366 : i32 to index
          %get3A_410 = arith.constant 48 : index
          %get3A_411 = tpu.vector_load %arg12[%get3A_408, %get3A_409, %get3A_410] {strides = array<i32>} : memref<2x128x128xf32, #tpu.memory_space<vmem>>, vector<16xf32>,
          %mul3A_412 = arith.mulf %get3A_406, %get3A_411 : vector<16xf32>
          %add3A_413 = arith.addf %add3A_401, %mul3A_412 : vector<16xf32>
          %get3A_414 = arith.constant 0 : i32
          %get3A_415 = arith.index_cast %get3A_414 : i32 to index
          %get3A_416 = arith.index_cast %add3A_366 : i32 to index
          %get3A_417 = arith.constant 64 : index
          %get3A_418 = tpu.vector_load %arg11[%get3A_415, %get3A_416, %get3A_417] {strides = array<i32>} : memref<2x128x128xf32, #tpu.memory_space<vmem>>, vector<16xf32>,
          %get3A_419 = arith.constant 0 : i32
          %get3A_420 = arith.index_cast %get3A_419 : i32 to index
          %get3A_421 = arith.index_cast %add3A_366 : i32 to index
          %get3A_422 = arith.constant 64 : index
          %get3A_423 = tpu.vector_load %arg12[%get3A_420, %get3A_421, %get3A_422] {strides = array<i32>} : memref<2x128x128xf32, #tpu.memory_space<vmem>>, vector<16xf32>,
          %mul3A_424 = arith.mulf %get3A_418, %get3A_423 : vector<16xf32>
          %add3A_425 = arith.addf %add3A_413, %mul3A_424 : vector<16xf32>
          %get3A_426 = arith.constant 0 : i32
          %get3A_427 = arith.index_cast %get3A_426 : i32 to index
          %get3A_428 = arith.index_cast %add3A_366 : i32 to index
          %get3A_429 = arith.constant 80 : index
          %get3A_430 = tpu.vector_load %arg11[%get3A_427, %get3A_428, %get3A_429] {strides = array<i32>} : memref<2x128x128xf32, #tpu.memory_space<vmem>>, vector<16xf32>,
          %get3A_431 = arith.constant 0 : i32
          %get3A_432 = arith.index_cast %get3A_431 : i32 to index
          %get3A_433 = arith.index_cast %add3A_366 : i32 to index
          %get3A_434 = arith.constant 80 : index
          %get3A_435 = tpu.vector_load %arg12[%get3A_432, %get3A_433, %get3A_434] {strides = array<i32>} : memref<2x128x128xf32, #tpu.memory_space<vmem>>, vector<16xf32>,
          %mul3A_436 = arith.mulf %get3A_430, %get3A_435 : vector<16xf32>
          %add3A_437 = arith.addf %add3A_425, %mul3A_436 : vector<16xf32>
          %get3A_438 = arith.constant 0 : i32
          %get3A_439 = arith.index_cast %get3A_438 : i32 to index
          %get3A_440 = arith.index_cast %add3A_366 : i32 to index
          %get3A_441 = arith.constant 96 : index
          %get3A_442 = tpu.vector_load %arg11[%get3A_439, %get3A_440, %get3A_441] {strides = array<i32>} : memref<2x128x128xf32, #tpu.memory_space<vmem>>, vector<16xf32>,
          %get3A_443 = arith.constant 0 : i32
          %get3A_444 = arith.index_cast %get3A_443 : i32 to index
          %get3A_445 = arith.index_cast %add3A_366 : i32 to index
          %get3A_446 = arith.constant 96 : index
          %get3A_447 = tpu.vector_load %arg12[%get3A_444, %get3A_445, %get3A_446] {strides = array<i32>} : memref<2x128x128xf32, #tpu.memory_space<vmem>>, vector<16xf32>,
          %mul3A_448 = arith.mulf %get3A_442, %get3A_447 : vector<16xf32>
          %add3A_449 = arith.addf %add3A_437, %mul3A_448 : vector<16xf32>
          %get3A_450 = arith.constant 0 : i32
          %get3A_451 = arith.index_cast %get3A_450 : i32 to index
          %get3A_452 = arith.index_cast %add3A_366 : i32 to index
          %get3A_453 = arith.constant 112 : index
          %get3A_454 = tpu.vector_load %arg11[%get3A_451, %get3A_452, %get3A_453] {strides = array<i32>} : memref<2x128x128xf32, #tpu.memory_space<vmem>>, vector<16xf32>,
          %get3A_455 = arith.constant 0 : i32
          %get3A_456 = arith.index_cast %get3A_455 : i32 to index
          %get3A_457 = arith.index_cast %add3A_366 : i32 to index
          %get3A_458 = arith.constant 112 : index
          %get3A_459 = tpu.vector_load %arg12[%get3A_456, %get3A_457, %get3A_458] {strides = array<i32>} : memref<2x128x128xf32, #tpu.memory_space<vmem>>, vector<16xf32>,
          %mul3A_460 = arith.mulf %get3A_454, %get3A_459 : vector<16xf32>
          %add3A_461 = arith.addf %add3A_449, %mul3A_460 : vector<16xf32>
          %eq3A_462 = vector.broadcast %scan3A_365 : i32 to vector<16xi32>
          %eq3A_463 = arith.cmpi eq, %iota3A, %eq3A_462 : vector<16xi32>
          %reduce_sum3A_464 = arith.constant true
          %reduce_sum3A_465 = vector.broadcast %reduce_sum3A_464 : i1 to vector<16xi1>
          %reduce_sum3A_466 = tpu.scan <sum>, %add3A_461 masked %reduce_sum3A_465 : vector<16xf32>, vector<16xi1> -> vector<16xf32>
          %reduce_sum3A_467 = vector.extract %reduce_sum3A_466[15] : f32 from vector<16xf32>
          %broadcast_in_dim3A_468 = vector.broadcast %reduce_sum3A_467 : f32 to vector<16xf32>
          %select_n3A_469 = arith.select %eq3A_463, %broadcast_in_dim3A_468, %select_n3A : vector<16xi1>, vector<16xf32>
          %scan3A_470 = arith.constant 2 : i32
          %scan3A_471 = arith.addi %scan3A_262, %scan3A_470 : i32
          %add3A_472 = arith.addi %mul3A_249, %scan3A_471 : i32
          %get3A_473 = arith.constant 0 : i32
          %get3A_474 = arith.index_cast %get3A_473 : i32 to index
          %get3A_475 = arith.index_cast %add3A_472 : i32 to index
          %get3A_476 = arith.constant 0 : index
          %get3A_477 = tpu.vector_load %arg11[%get3A_474, %get3A_475, %get3A_476] {strides = array<i32>} : memref<2x128x128xf32, #tpu.memory_space<vmem>>, vector<16xf32>,
          %get3A_478 = arith.constant 0 : i32
          %get3A_479 = arith.index_cast %get3A_478 : i32 to index
          %get3A_480 = arith.index_cast %add3A_472 : i32 to index
          %get3A_481 = arith.constant 0 : index
          %get3A_482 = tpu.vector_load %arg12[%get3A_479, %get3A_480, %get3A_481] {strides = array<i32>} : memref<2x128x128xf32, #tpu.memory_space<vmem>>, vector<16xf32>,
          %mul3A_483 = arith.mulf %get3A_477, %get3A_482 : vector<16xf32>
          %get3A_484 = arith.constant 0 : i32
          %get3A_485 = arith.index_cast %get3A_484 : i32 to index
          %get3A_486 = arith.index_cast %add3A_472 : i32 to index
          %get3A_487 = arith.constant 16 : index
          %get3A_488 = tpu.vector_load %arg11[%get3A_485, %get3A_486, %get3A_487] {strides = array<i32>} : memref<2x128x128xf32, #tpu.memory_space<vmem>>, vector<16xf32>,
          %get3A_489 = arith.constant 0 : i32
          %get3A_490 = arith.index_cast %get3A_489 : i32 to index
          %get3A_491 = arith.index_cast %add3A_472 : i32 to index
          %get3A_492 = arith.constant 16 : index
          %get3A_493 = tpu.vector_load %arg12[%get3A_490, %get3A_491, %get3A_492] {strides = array<i32>} : memref<2x128x128xf32, #tpu.memory_space<vmem>>, vector<16xf32>,
          %mul3A_494 = arith.mulf %get3A_488, %get3A_493 : vector<16xf32>
          %add3A_495 = arith.addf %mul3A_483, %mul3A_494 : vector<16xf32>
          %get3A_496 = arith.constant 0 : i32
          %get3A_497 = arith.index_cast %get3A_496 : i32 to index
          %get3A_498 = arith.index_cast %add3A_472 : i32 to index
          %get3A_499 = arith.constant 32 : index
          %get3A_500 = tpu.vector_load %arg11[%get3A_497, %get3A_498, %get3A_499] {strides = array<i32>} : memref<2x128x128xf32, #tpu.memory_space<vmem>>, vector<16xf32>,
          %get3A_501 = arith.constant 0 : i32
          %get3A_502 = arith.index_cast %get3A_501 : i32 to index
          %get3A_503 = arith.index_cast %add3A_472 : i32 to index
          %get3A_504 = arith.constant 32 : index
          %get3A_505 = tpu.vector_load %arg12[%get3A_502, %get3A_503, %get3A_504] {strides = array<i32>} : memref<2x128x128xf32, #tpu.memory_space<vmem>>, vector<16xf32>,
          %mul3A_506 = arith.mulf %get3A_500, %get3A_505 : vector<16xf32>
          %add3A_507 = arith.addf %add3A_495, %mul3A_506 : vector<16xf32>
          %get3A_508 = arith.constant 0 : i32
          %get3A_509 = arith.index_cast %get3A_508 : i32 to index
          %get3A_510 = arith.index_cast %add3A_472 : i32 to index
          %get3A_511 = arith.constant 48 : index
          %get3A_512 = tpu.vector_load %arg11[%get3A_509, %get3A_510, %get3A_511] {strides = array<i32>} : memref<2x128x128xf32, #tpu.memory_space<vmem>>, vector<16xf32>,
          %get3A_513 = arith.constant 0 : i32
          %get3A_514 = arith.index_cast %get3A_513 : i32 to index
          %get3A_515 = arith.index_cast %add3A_472 : i32 to index
          %get3A_516 = arith.constant 48 : index
          %get3A_517 = tpu.vector_load %arg12[%get3A_514, %get3A_515, %get3A_516] {strides = array<i32>} : memref<2x128x128xf32, #tpu.memory_space<vmem>>, vector<16xf32>,
          %mul3A_518 = arith.mulf %get3A_512, %get3A_517 : vector<16xf32>
          %add3A_519 = arith.addf %add3A_507, %mul3A_518 : vector<16xf32>
          %get3A_520 = arith.constant 0 : i32
          %get3A_521 = arith.index_cast %get3A_520 : i32 to index
          %get3A_522 = arith.index_cast %add3A_472 : i32 to index
          %get3A_523 = arith.constant 64 : index
          %get3A_524 = tpu.vector_load %arg11[%get3A_521, %get3A_522, %get3A_523] {strides = array<i32>} : memref<2x128x128xf32, #tpu.memory_space<vmem>>, vector<16xf32>,
          %get3A_525 = arith.constant 0 : i32
          %get3A_526 = arith.index_cast %get3A_525 : i32 to index
          %get3A_527 = arith.index_cast %add3A_472 : i32 to index
          %get3A_528 = arith.constant 64 : index
          %get3A_529 = tpu.vector_load %arg12[%get3A_526, %get3A_527, %get3A_528] {strides = array<i32>} : memref<2x128x128xf32, #tpu.memory_space<vmem>>, vector<16xf32>,
          %mul3A_530 = arith.mulf %get3A_524, %get3A_529 : vector<16xf32>
          %add3A_531 = arith.addf %add3A_519, %mul3A_530 : vector<16xf32>
          %get3A_532 = arith.constant 0 : i32
          %get3A_533 = arith.index_cast %get3A_532 : i32 to index
          %get3A_534 = arith.index_cast %add3A_472 : i32 to index
          %get3A_535 = arith.constant 80 : index
          %get3A_536 = tpu.vector_load %arg11[%get3A_533, %get3A_534, %get3A_535] {strides = array<i32>} : memref<2x128x128xf32, #tpu.memory_space<vmem>>, vector<16xf32>,
          %get3A_537 = arith.constant 0 : i32
          %get3A_538 = arith.index_cast %get3A_537 : i32 to index
          %get3A_539 = arith.index_cast %add3A_472 : i32 to index
          %get3A_540 = arith.constant 80 : index
          %get3A_541 = tpu.vector_load %arg12[%get3A_538, %get3A_539, %get3A_540] {strides = array<i32>} : memref<2x128x128xf32, #tpu.memory_space<vmem>>, vector<16xf32>,
          %mul3A_542 = arith.mulf %get3A_536, %get3A_541 : vector<16xf32>
          %add3A_543 = arith.addf %add3A_531, %mul3A_542 : vector<16xf32>
          %get3A_544 = arith.constant 0 : i32
          %get3A_545 = arith.index_cast %get3A_544 : i32 to index
          %get3A_546 = arith.index_cast %add3A_472 : i32 to index
          %get3A_547 = arith.constant 96 : index
          %get3A_548 = tpu.vector_load %arg11[%get3A_545, %get3A_546, %get3A_547] {strides = array<i32>} : memref<2x128x128xf32, #tpu.memory_space<vmem>>, vector<16xf32>,
          %get3A_549 = arith.constant 0 : i32
          %get3A_550 = arith.index_cast %get3A_549 : i32 to index
          %get3A_551 = arith.index_cast %add3A_472 : i32 to index
          %get3A_552 = arith.constant 96 : index
          %get3A_553 = tpu.vector_load %arg12[%get3A_550, %get3A_551, %get3A_552] {strides = array<i32>} : memref<2x128x128xf32, #tpu.memory_space<vmem>>, vector<16xf32>,
          %mul3A_554 = arith.mulf %get3A_548, %get3A_553 : vector<16xf32>
          %add3A_555 = arith.addf %add3A_543, %mul3A_554 : vector<16xf32>
          %get3A_556 = arith.constant 0 : i32
          %get3A_557 = arith.index_cast %get3A_556 : i32 to index
          %get3A_558 = arith.index_cast %add3A_472 : i32 to index
          %get3A_559 = arith.constant 112 : index
          %get3A_560 = tpu.vector_load %arg11[%get3A_557, %get3A_558, %get3A_559] {strides = array<i32>} : memref<2x128x128xf32, #tpu.memory_space<vmem>>, vector<16xf32>,
          %get3A_561 = arith.constant 0 : i32
          %get3A_562 = arith.index_cast %get3A_561 : i32 to index
          %get3A_563 = arith.index_cast %add3A_472 : i32 to index
          %get3A_564 = arith.constant 112 : index
          %get3A_565 = tpu.vector_load %arg12[%get3A_562, %get3A_563, %get3A_564] {strides = array<i32>} : memref<2x128x128xf32, #tpu.memory_space<vmem>>, vector<16xf32>,
          %mul3A_566 = arith.mulf %get3A_560, %get3A_565 : vector<16xf32>
          %add3A_567 = arith.addf %add3A_555, %mul3A_566 : vector<16xf32>
          %eq3A_568 = vector.broadcast %scan3A_471 : i32 to vector<16xi32>
          %eq3A_569 = arith.cmpi eq, %iota3A, %eq3A_568 : vector<16xi32>
          %reduce_sum3A_570 = arith.constant true
          %reduce_sum3A_571 = vector.broadcast %reduce_sum3A_570 : i1 to vector<16xi1>
          %reduce_sum3A_572 = tpu.scan <sum>, %add3A_567 masked %reduce_sum3A_571 : vector<16xf32>, vector<16xi1> -> vector<16xf32>
          %reduce_sum3A_573 = vector.extract %reduce_sum3A_572[15] : f32 from vector<16xf32>
          %broadcast_in_dim3A_574 = vector.broadcast %reduce_sum3A_573 : f32 to vector<16xf32>
          %select_n3A_575 = arith.select %eq3A_569, %broadcast_in_dim3A_574, %select_n3A_469 : vector<16xi1>, vector<16xf32>
          %scan3A_576 = arith.constant 3 : i32
          %scan3A_577 = arith.addi %scan3A_262, %scan3A_576 : i32
          %add3A_578 = arith.addi %mul3A_249, %scan3A_577 : i32
          %get3A_579 = arith.constant 0 : i32
          %get3A_580 = arith.index_cast %get3A_579 : i32 to index
          %get3A_581 = arith.index_cast %add3A_578 : i32 to index
          %get3A_582 = arith.constant 0 : index
          %get3A_583 = tpu.vector_load %arg11[%get3A_580, %get3A_581, %get3A_582] {strides = array<i32>} : memref<2x128x128xf32, #tpu.memory_space<vmem>>, vector<16xf32>,
          %get3A_584 = arith.constant 0 : i32
          %get3A_585 = arith.index_cast %get3A_584 : i32 to index
          %get3A_586 = arith.index_cast %add3A_578 : i32 to index
          %get3A_587 = arith.constant 0 : index
          %get3A_588 = tpu.vector_load %arg12[%get3A_585, %get3A_586, %get3A_587] {strides = array<i32>} : memref<2x128x128xf32, #tpu.memory_space<vmem>>, vector<16xf32>,
          %mul3A_589 = arith.mulf %get3A_583, %get3A_588 : vector<16xf32>
          %get3A_590 = arith.constant 0 : i32
          %get3A_591 = arith.index_cast %get3A_590 : i32 to index
          %get3A_592 = arith.index_cast %add3A_578 : i32 to index
          %get3A_593 = arith.constant 16 : index
          %get3A_594 = tpu.vector_load %arg11[%get3A_591, %get3A_592, %get3A_593] {strides = array<i32>} : memref<2x128x128xf32, #tpu.memory_space<vmem>>, vector<16xf32>,
          %get3A_595 = arith.constant 0 : i32
          %get3A_596 = arith.index_cast %get3A_595 : i32 to index
          %get3A_597 = arith.index_cast %add3A_578 : i32 to index
          %get3A_598 = arith.constant 16 : index
          %get3A_599 = tpu.vector_load %arg12[%get3A_596, %get3A_597, %get3A_598] {strides = array<i32>} : memref<2x128x128xf32, #tpu.memory_space<vmem>>, vector<16xf32>,
          %mul3A_600 = arith.mulf %get3A_594, %get3A_599 : vector<16xf32>
          %add3A_601 = arith.addf %mul3A_589, %mul3A_600 : vector<16xf32>
          %get3A_602 = arith.constant 0 : i32
          %get3A_603 = arith.index_cast %get3A_602 : i32 to index
          %get3A_604 = arith.index_cast %add3A_578 : i32 to index
          %get3A_605 = arith.constant 32 : index
          %get3A_606 = tpu.vector_load %arg11[%get3A_603, %get3A_604, %get3A_605] {strides = array<i32>} : memref<2x128x128xf32, #tpu.memory_space<vmem>>, vector<16xf32>,
          %get3A_607 = arith.constant 0 : i32
          %get3A_608 = arith.index_cast %get3A_607 : i32 to index
          %get3A_609 = arith.index_cast %add3A_578 : i32 to index
          %get3A_610 = arith.constant 32 : index
          %get3A_611 = tpu.vector_load %arg12[%get3A_608, %get3A_609, %get3A_610] {strides = array<i32>} : memref<2x128x128xf32, #tpu.memory_space<vmem>>, vector<16xf32>,
          %mul3A_612 = arith.mulf %get3A_606, %get3A_611 : vector<16xf32>
          %add3A_613 = arith.addf %add3A_601, %mul3A_612 : vector<16xf32>
          %get3A_614 = arith.constant 0 : i32
          %get3A_615 = arith.index_cast %get3A_614 : i32 to index
          %get3A_616 = arith.index_cast %add3A_578 : i32 to index
          %get3A_617 = arith.constant 48 : index
          %get3A_618 = tpu.vector_load %arg11[%get3A_615, %get3A_616, %get3A_617] {strides = array<i32>} : memref<2x128x128xf32, #tpu.memory_space<vmem>>, vector<16xf32>,
          %get3A_619 = arith.constant 0 : i32
          %get3A_620 = arith.index_cast %get3A_619 : i32 to index
          %get3A_621 = arith.index_cast %add3A_578 : i32 to index
          %get3A_622 = arith.constant 48 : index
          %get3A_623 = tpu.vector_load %arg12[%get3A_620, %get3A_621, %get3A_622] {strides = array<i32>} : memref<2x128x128xf32, #tpu.memory_space<vmem>>, vector<16xf32>,
          %mul3A_624 = arith.mulf %get3A_618, %get3A_623 : vector<16xf32>
          %add3A_625 = arith.addf %add3A_613, %mul3A_624 : vector<16xf32>
          %get3A_626 = arith.constant 0 : i32
          %get3A_627 = arith.index_cast %get3A_626 : i32 to index
          %get3A_628 = arith.index_cast %add3A_578 : i32 to index
          %get3A_629 = arith.constant 64 : index
          %get3A_630 = tpu.vector_load %arg11[%get3A_627, %get3A_628, %get3A_629] {strides = array<i32>} : memref<2x128x128xf32, #tpu.memory_space<vmem>>, vector<16xf32>,
          %get3A_631 = arith.constant 0 : i32
          %get3A_632 = arith.index_cast %get3A_631 : i32 to index
          %get3A_633 = arith.index_cast %add3A_578 : i32 to index
          %get3A_634 = arith.constant 64 : index
          %get3A_635 = tpu.vector_load %arg12[%get3A_632, %get3A_633, %get3A_634] {strides = array<i32>} : memref<2x128x128xf32, #tpu.memory_space<vmem>>, vector<16xf32>,
          %mul3A_636 = arith.mulf %get3A_630, %get3A_635 : vector<16xf32>
          %add3A_637 = arith.addf %add3A_625, %mul3A_636 : vector<16xf32>
          %get3A_638 = arith.constant 0 : i32
          %get3A_639 = arith.index_cast %get3A_638 : i32 to index
          %get3A_640 = arith.index_cast %add3A_578 : i32 to index
          %get3A_641 = arith.constant 80 : index
          %get3A_642 = tpu.vector_load %arg11[%get3A_639, %get3A_640, %get3A_641] {strides = array<i32>} : memref<2x128x128xf32, #tpu.memory_space<vmem>>, vector<16xf32>,
          %get3A_643 = arith.constant 0 : i32
          %get3A_644 = arith.index_cast %get3A_643 : i32 to index
          %get3A_645 = arith.index_cast %add3A_578 : i32 to index
          %get3A_646 = arith.constant 80 : index
          %get3A_647 = tpu.vector_load %arg12[%get3A_644, %get3A_645, %get3A_646] {strides = array<i32>} : memref<2x128x128xf32, #tpu.memory_space<vmem>>, vector<16xf32>,
          %mul3A_648 = arith.mulf %get3A_642, %get3A_647 : vector<16xf32>
          %add3A_649 = arith.addf %add3A_637, %mul3A_648 : vector<16xf32>
          %get3A_650 = arith.constant 0 : i32
          %get3A_651 = arith.index_cast %get3A_650 : i32 to index
          %get3A_652 = arith.index_cast %add3A_578 : i32 to index
          %get3A_653 = arith.constant 96 : index
          %get3A_654 = tpu.vector_load %arg11[%get3A_651, %get3A_652, %get3A_653] {strides = array<i32>} : memref<2x128x128xf32, #tpu.memory_space<vmem>>, vector<16xf32>,
          %get3A_655 = arith.constant 0 : i32
          %get3A_656 = arith.index_cast %get3A_655 : i32 to index
          %get3A_657 = arith.index_cast %add3A_578 : i32 to index
          %get3A_658 = arith.constant 96 : index
          %get3A_659 = tpu.vector_load %arg12[%get3A_656, %get3A_657, %get3A_658] {strides = array<i32>} : memref<2x128x128xf32, #tpu.memory_space<vmem>>, vector<16xf32>,
          %mul3A_660 = arith.mulf %get3A_654, %get3A_659 : vector<16xf32>
          %add3A_661 = arith.addf %add3A_649, %mul3A_660 : vector<16xf32>
          %get3A_662 = arith.constant 0 : i32
          %get3A_663 = arith.index_cast %get3A_662 : i32 to index
          %get3A_664 = arith.index_cast %add3A_578 : i32 to index
          %get3A_665 = arith.constant 112 : index
          %get3A_666 = tpu.vector_load %arg11[%get3A_663, %get3A_664, %get3A_665] {strides = array<i32>} : memref<2x128x128xf32, #tpu.memory_space<vmem>>, vector<16xf32>,
          %get3A_667 = arith.constant 0 : i32
          %get3A_668 = arith.index_cast %get3A_667 : i32 to index
          %get3A_669 = arith.index_cast %add3A_578 : i32 to index
          %get3A_670 = arith.constant 112 : index
          %get3A_671 = tpu.vector_load %arg12[%get3A_668, %get3A_669, %get3A_670] {strides = array<i32>} : memref<2x128x128xf32, #tpu.memory_space<vmem>>, vector<16xf32>,
          %mul3A_672 = arith.mulf %get3A_666, %get3A_671 : vector<16xf32>
          %add3A_673 = arith.addf %add3A_661, %mul3A_672 : vector<16xf32>
          %eq3A_674 = vector.broadcast %scan3A_577 : i32 to vector<16xi32>
          %eq3A_675 = arith.cmpi eq, %iota3A, %eq3A_674 : vector<16xi32>
          %reduce_sum3A_676 = arith.constant true
          %reduce_sum3A_677 = vector.broadcast %reduce_sum3A_676 : i1 to vector<16xi1>
          %reduce_sum3A_678 = tpu.scan <sum>, %add3A_673 masked %reduce_sum3A_677 : vector<16xf32>, vector<16xi1> -> vector<16xf32>
          %reduce_sum3A_679 = vector.extract %reduce_sum3A_678[15] : f32 from vector<16xf32>
          %broadcast_in_dim3A_680 = vector.broadcast %reduce_sum3A_679 : f32 to vector<16xf32>
          %select_n3A_681 = arith.select %eq3A_675, %broadcast_in_dim3A_680, %select_n3A_575 : vector<16xi1>, vector<16xf32>
          scf.yield %select_n3A_681 : vector<16xf32>
        }
        %scan3A_256 = arith.constant 16 : i32
        %mul3A_257 = arith.constant 128 : i32
        %mul3A_258 = arith.muli %mul3A_157, %mul3A_257 : i32
        %add3A_259 = arith.addi %mul3A_258, %mul3A_249 : i32
        %swap3A = arith.index_cast %add3A_259 : i32 to index
        %swap3A_260 = tpu.vector_load %arg15[%swap3A] {strides = array<i32>} : memref<512xf32, #tpu.memory_space<vmem>>, vector<16xf32>,
        tpu.vector_store %arg15[%swap3A], %scan3A_255 {strides = array<i32>} : memref<512xf32, #tpu.memory_space<vmem>>, vector<16xf32>,
        %scan3A_261 = arith.constant 0 : i32
        scf.yield %scan3A_261 : i32
      }
      %scan3A_194 = arith.constant 8 : i32
      %add3A_195 = arith.constant 2 : i32
      %add3A_196 = arith.addi %mul3A_157, %add3A_195 : i32
      %lt3A = arith.constant 4 : i32
      %lt3A_197 = arith.cmpi slt, %add3A_196, %lt3A : i32
      %convert_element_type3A = arith.extui %lt3A_197 : i1 to i32
      %cond3A = arith.constant 0 : i32
      %cond3A_198 = arith.cmpi ne, %convert_element_type3A, %cond3A : i32
      scf.if %cond3A_198 {
        %add3A_246 = arith.constant 2 : i32
        %add3A_247 = arith.addi %mul3A_157, %add3A_246 : i32
        %mul3A_248 = arith.constant 128 : i32
        %mul3A_249 = arith.muli %add3A_247, %mul3A_248 : i32
        %dma_start3A_250 = arith.constant 0 : i32
        %dma_start3A_251 = arith.constant 0 : i32
        %dma_start3A_252 = arith.constant 0 : i32
        %dma_start3A_253 = tpu.memref_slice %arg11[%dma_start3A_250, %dma_start3A_251, %dma_start3A_252] : memref<2x128x128xf32, #tpu.memory_space<vmem>> -> memref<1x128x128xf32, #tpu.memory_space<vmem>>
        %dma_start3A_254 = tpu.memref_squeeze %dma_start3A_253 : memref<1x128x128xf32, #tpu.memory_space<vmem>> -> memref<128x128xf32, #tpu.memory_space<vmem>>
        %dma_start3A_255 = tpu.memref_slice %arg9[%mul3A_249] : memref<512xi32, #tpu.memory_space<vmem>> -> memref<128xi32, #tpu.memory_space<vmem>>
        %dma_start3A_256 = arith.constant 0 : i32
        %dma_start3A_257 = arith.constant 0 : i32
        %dma_start3A_258 = tpu.memref_slice %arg4[%dma_start3A_256, %dma_start3A_257] : memref<100000x128xf32, #tpu.memory_space<hbm>> -> memref<100000x128xf32, #tpu.memory_space<hbm>>
        tpu.enqueue_indirect_dma source(%dma_start3A_258 : memref<100000x128xf32, #tpu.memory_space<hbm>>) target(%dma_start3A_254 : memref<128x128xf32, #tpu.memory_space<vmem>>) offsets(%dma_start3A_255 : memref<128xi32, #tpu.memory_space<vmem>>) semaphore(%arg16 : memref<!tpu.dma_semaphore, #tpu.memory_space<semaphore_mem>>)
        %dma_start3A_259 = arith.constant 0 : i32
        %dma_start3A_260 = arith.constant 0 : i32
        %dma_start3A_261 = arith.constant 0 : i32
        %dma_start3A_262 = tpu.memref_slice %arg12[%dma_start3A_259, %dma_start3A_260, %dma_start3A_261] : memref<2x128x128xf32, #tpu.memory_space<vmem>> -> memref<1x128x128xf32, #tpu.memory_space<vmem>>
        %dma_start3A_263 = tpu.memref_squeeze %dma_start3A_262 : memref<1x128x128xf32, #tpu.memory_space<vmem>> -> memref<128x128xf32, #tpu.memory_space<vmem>>
        %dma_start3A_264 = tpu.memref_slice %arg10[%mul3A_249] : memref<512xi32, #tpu.memory_space<vmem>> -> memref<128xi32, #tpu.memory_space<vmem>>
        %dma_start3A_265 = arith.constant 0 : i32
        %dma_start3A_266 = arith.constant 0 : i32
        %dma_start3A_267 = tpu.memref_slice %arg5[%dma_start3A_265, %dma_start3A_266] : memref<100000x128xf32, #tpu.memory_space<hbm>> -> memref<100000x128xf32, #tpu.memory_space<hbm>>
        tpu.enqueue_indirect_dma source(%dma_start3A_267 : memref<100000x128xf32, #tpu.memory_space<hbm>>) target(%dma_start3A_263 : memref<128x128xf32, #tpu.memory_space<vmem>>) offsets(%dma_start3A_264 : memref<128xi32, #tpu.memory_space<vmem>>) semaphore(%arg16 : memref<!tpu.dma_semaphore, #tpu.memory_space<semaphore_mem>>)
      } else {
      }
      %dma_wait3A_199 = arith.constant 1 : i32
      %dma_wait3A_200 = arith.constant 0 : i32
      %dma_wait3A_201 = arith.constant 0 : i32
      %dma_wait3A_202 = tpu.memref_slice %arg11[%dma_wait3A_199, %dma_wait3A_200, %dma_wait3A_201] : memref<2x128x128xf32, #tpu.memory_space<vmem>> -> memref<1x128x128xf32, #tpu.memory_space<vmem>>
      %dma_wait3A_203 = tpu.memref_squeeze %dma_wait3A_202 : memref<1x128x128xf32, #tpu.memory_space<vmem>> -> memref<128x128xf32, #tpu.memory_space<vmem>>
      %dma_wait3A_204 = arith.constant 0 : i32
      %dma_wait3A_205 = arith.constant 0 : i32
      %dma_wait3A_206 = tpu.memref_slice %arg4[%dma_wait3A_204, %dma_wait3A_205] : memref<100000x128xf32, #tpu.memory_space<hbm>> -> memref<128x128xf32, #tpu.memory_space<hbm>>
      %dma_wait3A_207 = arith.constant 0 : i32
      %dma_wait3A_208 = arith.constant 0 : i32
      %dma_wait3A_209 = tpu.memref_slice %arg11[%dma_wait3A_199, %dma_wait3A_207, %dma_wait3A_208] : memref<2x128x128xf32, #tpu.memory_space<vmem>> -> memref<1x128x128xf32, #tpu.memory_space<vmem>>
      %dma_wait3A_210 = tpu.memref_squeeze %dma_wait3A_209 : memref<1x128x128xf32, #tpu.memory_space<vmem>> -> memref<128x128xf32, #tpu.memory_space<vmem>>
      %dma_wait3A_211 = arith.constant 0 : i32
      %dma_wait3A_212 = arith.constant 0 : i32
      %dma_wait3A_213 = tpu.memref_slice %arg4[%dma_wait3A_211, %dma_wait3A_212] : memref<100000x128xf32, #tpu.memory_space<hbm>> -> memref<128x128xf32, #tpu.memory_space<hbm>>
      tpu.wait_dma2 semaphore(%arg17 : memref<!tpu.dma_semaphore, #tpu.memory_space<semaphore_mem>>) src(%dma_wait3A_213 : memref<128x128xf32, #tpu.memory_space<hbm>>) dst(%dma_wait3A_210 : memref<128x128xf32, #tpu.memory_space<vmem>>)
      %dma_wait3A_214 = arith.constant 1 : i32
      %dma_wait3A_215 = arith.constant 0 : i32
      %dma_wait3A_216 = arith.constant 0 : i32
      %dma_wait3A_217 = tpu.memref_slice %arg12[%dma_wait3A_214, %dma_wait3A_215, %dma_wait3A_216] : memref<2x128x128xf32, #tpu.memory_space<vmem>> -> memref<1x128x128xf32, #tpu.memory_space<vmem>>
      %dma_wait3A_218 = tpu.memref_squeeze %dma_wait3A_217 : memref<1x128x128xf32, #tpu.memory_space<vmem>> -> memref<128x128xf32, #tpu.memory_space<vmem>>
      %dma_wait3A_219 = arith.constant 0 : i32
      %dma_wait3A_220 = arith.constant 0 : i32
      %dma_wait3A_221 = tpu.memref_slice %arg5[%dma_wait3A_219, %dma_wait3A_220] : memref<100000x128xf32, #tpu.memory_space<hbm>> -> memref<128x128xf32, #tpu.memory_space<hbm>>
      %dma_wait3A_222 = arith.constant 0 : i32
      %dma_wait3A_223 = arith.constant 0 : i32
      %dma_wait3A_224 = tpu.memref_slice %arg12[%dma_wait3A_214, %dma_wait3A_222, %dma_wait3A_223] : memref<2x128x128xf32, #tpu.memory_space<vmem>> -> memref<1x128x128xf32, #tpu.memory_space<vmem>>
      %dma_wait3A_225 = tpu.memref_squeeze %dma_wait3A_224 : memref<1x128x128xf32, #tpu.memory_space<vmem>> -> memref<128x128xf32, #tpu.memory_space<vmem>>
      %dma_wait3A_226 = arith.constant 0 : i32
      %dma_wait3A_227 = arith.constant 0 : i32
      %dma_wait3A_228 = tpu.memref_slice %arg5[%dma_wait3A_226, %dma_wait3A_227] : memref<100000x128xf32, #tpu.memory_space<hbm>> -> memref<128x128xf32, #tpu.memory_space<hbm>>
      tpu.wait_dma2 semaphore(%arg17 : memref<!tpu.dma_semaphore, #tpu.memory_space<semaphore_mem>>) src(%dma_wait3A_228 : memref<128x128xf32, #tpu.memory_space<hbm>>) dst(%dma_wait3A_225 : memref<128x128xf32, #tpu.memory_space<vmem>>)
      %add3A_229 = arith.constant 1 : i32
      %add3A_230 = arith.addi %mul3A_157, %add3A_229 : i32
      %scan3A_231 = arith.constant 0 : i32
      %scan3A_232 = arith.constant 0 : i32
      %scan3A_233 = arith.constant 8 : i32
      %scan3A_234 = arith.addi %scan3A_232, %scan3A_233 : i32
      %scan3A_235 = arith.constant 1 : i32
      %scan3A_236 = scf.for %scan3A_246 = %scan3A_232 to %scan3A_234 step %scan3A_235 iter_args(%scan3A_247 = %scan3A_231) -> (i32)  : i32 {
        %mul3A_248 = arith.constant 16 : i32
        %mul3A_249 = arith.muli %scan3A_246, %mul3A_248 : i32
        %broadcast_in_dim3A = arith.constant 0.000000e+00 : f32
        %broadcast_in_dim3A_250 = vector.broadcast %broadcast_in_dim3A : f32 to vector<16xf32>
        %scan3A_251 = arith.constant 0 : i32
        %scan3A_252 = arith.constant 16 : i32
        %scan3A_253 = arith.addi %scan3A_251, %scan3A_252 : i32
        %scan3A_254 = arith.constant 4 : i32
        %scan3A_255 = scf.for %scan3A_262 = %scan3A_251 to %scan3A_253 step %scan3A_254 iter_args(%scan3A_263 = %broadcast_in_dim3A_250) -> (vector<16xf32>)  : i32 {
          %add3A_264 = arith.addi %mul3A_249, %scan3A_262 : i32
          %get3A = arith.constant 1 : i32
          %get3A_265 = arith.index_cast %get3A : i32 to index
          %get3A_266 = arith.index_cast %add3A_264 : i32 to index
          %get3A_267 = arith.constant 0 : index
          %get3A_268 = tpu.vector_load %arg11[%get3A_265, %get3A_266, %get3A_267] {strides = array<i32>} : memref<2x128x128xf32, #tpu.memory_space<vmem>>, vector<16xf32>,
          %get3A_269 = arith.constant 1 : i32
          %get3A_270 = arith.index_cast %get3A_269 : i32 to index
          %get3A_271 = arith.index_cast %add3A_264 : i32 to index
          %get3A_272 = arith.constant 0 : index
          %get3A_273 = tpu.vector_load %arg12[%get3A_270, %get3A_271, %get3A_272] {strides = array<i32>} : memref<2x128x128xf32, #tpu.memory_space<vmem>>, vector<16xf32>,
          %mul3A_274 = arith.mulf %get3A_268, %get3A_273 : vector<16xf32>
          %get3A_275 = arith.constant 1 : i32
          %get3A_276 = arith.index_cast %get3A_275 : i32 to index
          %get3A_277 = arith.index_cast %add3A_264 : i32 to index
          %get3A_278 = arith.constant 16 : index
          %get3A_279 = tpu.vector_load %arg11[%get3A_276, %get3A_277, %get3A_278] {strides = array<i32>} : memref<2x128x128xf32, #tpu.memory_space<vmem>>, vector<16xf32>,
          %get3A_280 = arith.constant 1 : i32
          %get3A_281 = arith.index_cast %get3A_280 : i32 to index
          %get3A_282 = arith.index_cast %add3A_264 : i32 to index
          %get3A_283 = arith.constant 16 : index
          %get3A_284 = tpu.vector_load %arg12[%get3A_281, %get3A_282, %get3A_283] {strides = array<i32>} : memref<2x128x128xf32, #tpu.memory_space<vmem>>, vector<16xf32>,
          %mul3A_285 = arith.mulf %get3A_279, %get3A_284 : vector<16xf32>
          %add3A_286 = arith.addf %mul3A_274, %mul3A_285 : vector<16xf32>
          %get3A_287 = arith.constant 1 : i32
          %get3A_288 = arith.index_cast %get3A_287 : i32 to index
          %get3A_289 = arith.index_cast %add3A_264 : i32 to index
          %get3A_290 = arith.constant 32 : index
          %get3A_291 = tpu.vector_load %arg11[%get3A_288, %get3A_289, %get3A_290] {strides = array<i32>} : memref<2x128x128xf32, #tpu.memory_space<vmem>>, vector<16xf32>,
          %get3A_292 = arith.constant 1 : i32
          %get3A_293 = arith.index_cast %get3A_292 : i32 to index
          %get3A_294 = arith.index_cast %add3A_264 : i32 to index
          %get3A_295 = arith.constant 32 : index
          %get3A_296 = tpu.vector_load %arg12[%get3A_293, %get3A_294, %get3A_295] {strides = array<i32>} : memref<2x128x128xf32, #tpu.memory_space<vmem>>, vector<16xf32>,
          %mul3A_297 = arith.mulf %get3A_291, %get3A_296 : vector<16xf32>
          %add3A_298 = arith.addf %add3A_286, %mul3A_297 : vector<16xf32>
          %get3A_299 = arith.constant 1 : i32
          %get3A_300 = arith.index_cast %get3A_299 : i32 to index
          %get3A_301 = arith.index_cast %add3A_264 : i32 to index
          %get3A_302 = arith.constant 48 : index
          %get3A_303 = tpu.vector_load %arg11[%get3A_300, %get3A_301, %get3A_302] {strides = array<i32>} : memref<2x128x128xf32, #tpu.memory_space<vmem>>, vector<16xf32>,
          %get3A_304 = arith.constant 1 : i32
          %get3A_305 = arith.index_cast %get3A_304 : i32 to index
          %get3A_306 = arith.index_cast %add3A_264 : i32 to index
          %get3A_307 = arith.constant 48 : index
          %get3A_308 = tpu.vector_load %arg12[%get3A_305, %get3A_306, %get3A_307] {strides = array<i32>} : memref<2x128x128xf32, #tpu.memory_space<vmem>>, vector<16xf32>,
          %mul3A_309 = arith.mulf %get3A_303, %get3A_308 : vector<16xf32>
          %add3A_310 = arith.addf %add3A_298, %mul3A_309 : vector<16xf32>
          %get3A_311 = arith.constant 1 : i32
          %get3A_312 = arith.index_cast %get3A_311 : i32 to index
          %get3A_313 = arith.index_cast %add3A_264 : i32 to index
          %get3A_314 = arith.constant 64 : index
          %get3A_315 = tpu.vector_load %arg11[%get3A_312, %get3A_313, %get3A_314] {strides = array<i32>} : memref<2x128x128xf32, #tpu.memory_space<vmem>>, vector<16xf32>,
          %get3A_316 = arith.constant 1 : i32
          %get3A_317 = arith.index_cast %get3A_316 : i32 to index
          %get3A_318 = arith.index_cast %add3A_264 : i32 to index
          %get3A_319 = arith.constant 64 : index
          %get3A_320 = tpu.vector_load %arg12[%get3A_317, %get3A_318, %get3A_319] {strides = array<i32>} : memref<2x128x128xf32, #tpu.memory_space<vmem>>, vector<16xf32>,
          %mul3A_321 = arith.mulf %get3A_315, %get3A_320 : vector<16xf32>
          %add3A_322 = arith.addf %add3A_310, %mul3A_321 : vector<16xf32>
          %get3A_323 = arith.constant 1 : i32
          %get3A_324 = arith.index_cast %get3A_323 : i32 to index
          %get3A_325 = arith.index_cast %add3A_264 : i32 to index
          %get3A_326 = arith.constant 80 : index
          %get3A_327 = tpu.vector_load %arg11[%get3A_324, %get3A_325, %get3A_326] {strides = array<i32>} : memref<2x128x128xf32, #tpu.memory_space<vmem>>, vector<16xf32>,
          %get3A_328 = arith.constant 1 : i32
          %get3A_329 = arith.index_cast %get3A_328 : i32 to index
          %get3A_330 = arith.index_cast %add3A_264 : i32 to index
          %get3A_331 = arith.constant 80 : index
          %get3A_332 = tpu.vector_load %arg12[%get3A_329, %get3A_330, %get3A_331] {strides = array<i32>} : memref<2x128x128xf32, #tpu.memory_space<vmem>>, vector<16xf32>,
          %mul3A_333 = arith.mulf %get3A_327, %get3A_332 : vector<16xf32>
          %add3A_334 = arith.addf %add3A_322, %mul3A_333 : vector<16xf32>
          %get3A_335 = arith.constant 1 : i32
          %get3A_336 = arith.index_cast %get3A_335 : i32 to index
          %get3A_337 = arith.index_cast %add3A_264 : i32 to index
          %get3A_338 = arith.constant 96 : index
          %get3A_339 = tpu.vector_load %arg11[%get3A_336, %get3A_337, %get3A_338] {strides = array<i32>} : memref<2x128x128xf32, #tpu.memory_space<vmem>>, vector<16xf32>,
          %get3A_340 = arith.constant 1 : i32
          %get3A_341 = arith.index_cast %get3A_340 : i32 to index
          %get3A_342 = arith.index_cast %add3A_264 : i32 to index
          %get3A_343 = arith.constant 96 : index
          %get3A_344 = tpu.vector_load %arg12[%get3A_341, %get3A_342, %get3A_343] {strides = array<i32>} : memref<2x128x128xf32, #tpu.memory_space<vmem>>, vector<16xf32>,
          %mul3A_345 = arith.mulf %get3A_339, %get3A_344 : vector<16xf32>
          %add3A_346 = arith.addf %add3A_334, %mul3A_345 : vector<16xf32>
          %get3A_347 = arith.constant 1 : i32
          %get3A_348 = arith.index_cast %get3A_347 : i32 to index
          %get3A_349 = arith.index_cast %add3A_264 : i32 to index
          %get3A_350 = arith.constant 112 : index
          %get3A_351 = tpu.vector_load %arg11[%get3A_348, %get3A_349, %get3A_350] {strides = array<i32>} : memref<2x128x128xf32, #tpu.memory_space<vmem>>, vector<16xf32>,
          %get3A_352 = arith.constant 1 : i32
          %get3A_353 = arith.index_cast %get3A_352 : i32 to index
          %get3A_354 = arith.index_cast %add3A_264 : i32 to index
          %get3A_355 = arith.constant 112 : index
          %get3A_356 = tpu.vector_load %arg12[%get3A_353, %get3A_354, %get3A_355] {strides = array<i32>} : memref<2x128x128xf32, #tpu.memory_space<vmem>>, vector<16xf32>,
          %mul3A_357 = arith.mulf %get3A_351, %get3A_356 : vector<16xf32>
          %add3A_358 = arith.addf %add3A_346, %mul3A_357 : vector<16xf32>
          %eq3A = vector.broadcast %scan3A_262 : i32 to vector<16xi32>
          %eq3A_359 = arith.cmpi eq, %iota3A, %eq3A : vector<16xi32>
          %reduce_sum3A = arith.constant true
          %reduce_sum3A_360 = vector.broadcast %reduce_sum3A : i1 to vector<16xi1>
          %reduce_sum3A_361 = tpu.scan <sum>, %add3A_358 masked %reduce_sum3A_360 : vector<16xf32>, vector<16xi1> -> vector<16xf32>
          %reduce_sum3A_362 = vector.extract %reduce_sum3A_361[15] : f32 from vector<16xf32>
          %broadcast_in_dim3A_363 = vector.broadcast %reduce_sum3A_362 : f32 to vector<16xf32>
          %select_n3A = arith.select %eq3A_359, %broadcast_in_dim3A_363, %scan3A_263 : vector<16xi1>, vector<16xf32>
          %scan3A_364 = arith.constant 1 : i32
          %scan3A_365 = arith.addi %scan3A_262, %scan3A_364 : i32
          %add3A_366 = arith.addi %mul3A_249, %scan3A_365 : i32
          %get3A_367 = arith.constant 1 : i32
          %get3A_368 = arith.index_cast %get3A_367 : i32 to index
          %get3A_369 = arith.index_cast %add3A_366 : i32 to index
          %get3A_370 = arith.constant 0 : index
          %get3A_371 = tpu.vector_load %arg11[%get3A_368, %get3A_369, %get3A_370] {strides = array<i32>} : memref<2x128x128xf32, #tpu.memory_space<vmem>>, vector<16xf32>,
          %get3A_372 = arith.constant 1 : i32
          %get3A_373 = arith.index_cast %get3A_372 : i32 to index
          %get3A_374 = arith.index_cast %add3A_366 : i32 to index
          %get3A_375 = arith.constant 0 : index
          %get3A_376 = tpu.vector_load %arg12[%get3A_373, %get3A_374, %get3A_375] {strides = array<i32>} : memref<2x128x128xf32, #tpu.memory_space<vmem>>, vector<16xf32>,
          %mul3A_377 = arith.mulf %get3A_371, %get3A_376 : vector<16xf32>
          %get3A_378 = arith.constant 1 : i32
          %get3A_379 = arith.index_cast %get3A_378 : i32 to index
          %get3A_380 = arith.index_cast %add3A_366 : i32 to index
          %get3A_381 = arith.constant 16 : index
          %get3A_382 = tpu.vector_load %arg11[%get3A_379, %get3A_380, %get3A_381] {strides = array<i32>} : memref<2x128x128xf32, #tpu.memory_space<vmem>>, vector<16xf32>,
          %get3A_383 = arith.constant 1 : i32
          %get3A_384 = arith.index_cast %get3A_383 : i32 to index
          %get3A_385 = arith.index_cast %add3A_366 : i32 to index
          %get3A_386 = arith.constant 16 : index
          %get3A_387 = tpu.vector_load %arg12[%get3A_384, %get3A_385, %get3A_386] {strides = array<i32>} : memref<2x128x128xf32, #tpu.memory_space<vmem>>, vector<16xf32>,
          %mul3A_388 = arith.mulf %get3A_382, %get3A_387 : vector<16xf32>
          %add3A_389 = arith.addf %mul3A_377, %mul3A_388 : vector<16xf32>
          %get3A_390 = arith.constant 1 : i32
          %get3A_391 = arith.index_cast %get3A_390 : i32 to index
          %get3A_392 = arith.index_cast %add3A_366 : i32 to index
          %get3A_393 = arith.constant 32 : index
          %get3A_394 = tpu.vector_load %arg11[%get3A_391, %get3A_392, %get3A_393] {strides = array<i32>} : memref<2x128x128xf32, #tpu.memory_space<vmem>>, vector<16xf32>,
          %get3A_395 = arith.constant 1 : i32
          %get3A_396 = arith.index_cast %get3A_395 : i32 to index
          %get3A_397 = arith.index_cast %add3A_366 : i32 to index
          %get3A_398 = arith.constant 32 : index
          %get3A_399 = tpu.vector_load %arg12[%get3A_396, %get3A_397, %get3A_398] {strides = array<i32>} : memref<2x128x128xf32, #tpu.memory_space<vmem>>, vector<16xf32>,
          %mul3A_400 = arith.mulf %get3A_394, %get3A_399 : vector<16xf32>
          %add3A_401 = arith.addf %add3A_389, %mul3A_400 : vector<16xf32>
          %get3A_402 = arith.constant 1 : i32
          %get3A_403 = arith.index_cast %get3A_402 : i32 to index
          %get3A_404 = arith.index_cast %add3A_366 : i32 to index
          %get3A_405 = arith.constant 48 : index
          %get3A_406 = tpu.vector_load %arg11[%get3A_403, %get3A_404, %get3A_405] {strides = array<i32>} : memref<2x128x128xf32, #tpu.memory_space<vmem>>, vector<16xf32>,
          %get3A_407 = arith.constant 1 : i32
          %get3A_408 = arith.index_cast %get3A_407 : i32 to index
          %get3A_409 = arith.index_cast %add3A_366 : i32 to index
          %get3A_410 = arith.constant 48 : index
          %get3A_411 = tpu.vector_load %arg12[%get3A_408, %get3A_409, %get3A_410] {strides = array<i32>} : memref<2x128x128xf32, #tpu.memory_space<vmem>>, vector<16xf32>,
          %mul3A_412 = arith.mulf %get3A_406, %get3A_411 : vector<16xf32>
          %add3A_413 = arith.addf %add3A_401, %mul3A_412 : vector<16xf32>
          %get3A_414 = arith.constant 1 : i32
          %get3A_415 = arith.index_cast %get3A_414 : i32 to index
          %get3A_416 = arith.index_cast %add3A_366 : i32 to index
          %get3A_417 = arith.constant 64 : index
          %get3A_418 = tpu.vector_load %arg11[%get3A_415, %get3A_416, %get3A_417] {strides = array<i32>} : memref<2x128x128xf32, #tpu.memory_space<vmem>>, vector<16xf32>,
          %get3A_419 = arith.constant 1 : i32
          %get3A_420 = arith.index_cast %get3A_419 : i32 to index
          %get3A_421 = arith.index_cast %add3A_366 : i32 to index
          %get3A_422 = arith.constant 64 : index
          %get3A_423 = tpu.vector_load %arg12[%get3A_420, %get3A_421, %get3A_422] {strides = array<i32>} : memref<2x128x128xf32, #tpu.memory_space<vmem>>, vector<16xf32>,
          %mul3A_424 = arith.mulf %get3A_418, %get3A_423 : vector<16xf32>
          %add3A_425 = arith.addf %add3A_413, %mul3A_424 : vector<16xf32>
          %get3A_426 = arith.constant 1 : i32
          %get3A_427 = arith.index_cast %get3A_426 : i32 to index
          %get3A_428 = arith.index_cast %add3A_366 : i32 to index
          %get3A_429 = arith.constant 80 : index
          %get3A_430 = tpu.vector_load %arg11[%get3A_427, %get3A_428, %get3A_429] {strides = array<i32>} : memref<2x128x128xf32, #tpu.memory_space<vmem>>, vector<16xf32>,
          %get3A_431 = arith.constant 1 : i32
          %get3A_432 = arith.index_cast %get3A_431 : i32 to index
          %get3A_433 = arith.index_cast %add3A_366 : i32 to index
          %get3A_434 = arith.constant 80 : index
          %get3A_435 = tpu.vector_load %arg12[%get3A_432, %get3A_433, %get3A_434] {strides = array<i32>} : memref<2x128x128xf32, #tpu.memory_space<vmem>>, vector<16xf32>,
          %mul3A_436 = arith.mulf %get3A_430, %get3A_435 : vector<16xf32>
          %add3A_437 = arith.addf %add3A_425, %mul3A_436 : vector<16xf32>
          %get3A_438 = arith.constant 1 : i32
          %get3A_439 = arith.index_cast %get3A_438 : i32 to index
          %get3A_440 = arith.index_cast %add3A_366 : i32 to index
          %get3A_441 = arith.constant 96 : index
          %get3A_442 = tpu.vector_load %arg11[%get3A_439, %get3A_440, %get3A_441] {strides = array<i32>} : memref<2x128x128xf32, #tpu.memory_space<vmem>>, vector<16xf32>,
          %get3A_443 = arith.constant 1 : i32
          %get3A_444 = arith.index_cast %get3A_443 : i32 to index
          %get3A_445 = arith.index_cast %add3A_366 : i32 to index
          %get3A_446 = arith.constant 96 : index
          %get3A_447 = tpu.vector_load %arg12[%get3A_444, %get3A_445, %get3A_446] {strides = array<i32>} : memref<2x128x128xf32, #tpu.memory_space<vmem>>, vector<16xf32>,
          %mul3A_448 = arith.mulf %get3A_442, %get3A_447 : vector<16xf32>
          %add3A_449 = arith.addf %add3A_437, %mul3A_448 : vector<16xf32>
          %get3A_450 = arith.constant 1 : i32
          %get3A_451 = arith.index_cast %get3A_450 : i32 to index
          %get3A_452 = arith.index_cast %add3A_366 : i32 to index
          %get3A_453 = arith.constant 112 : index
          %get3A_454 = tpu.vector_load %arg11[%get3A_451, %get3A_452, %get3A_453] {strides = array<i32>} : memref<2x128x128xf32, #tpu.memory_space<vmem>>, vector<16xf32>,
          %get3A_455 = arith.constant 1 : i32
          %get3A_456 = arith.index_cast %get3A_455 : i32 to index
          %get3A_457 = arith.index_cast %add3A_366 : i32 to index
          %get3A_458 = arith.constant 112 : index
          %get3A_459 = tpu.vector_load %arg12[%get3A_456, %get3A_457, %get3A_458] {strides = array<i32>} : memref<2x128x128xf32, #tpu.memory_space<vmem>>, vector<16xf32>,
          %mul3A_460 = arith.mulf %get3A_454, %get3A_459 : vector<16xf32>
          %add3A_461 = arith.addf %add3A_449, %mul3A_460 : vector<16xf32>
          %eq3A_462 = vector.broadcast %scan3A_365 : i32 to vector<16xi32>
          %eq3A_463 = arith.cmpi eq, %iota3A, %eq3A_462 : vector<16xi32>
          %reduce_sum3A_464 = arith.constant true
          %reduce_sum3A_465 = vector.broadcast %reduce_sum3A_464 : i1 to vector<16xi1>
          %reduce_sum3A_466 = tpu.scan <sum>, %add3A_461 masked %reduce_sum3A_465 : vector<16xf32>, vector<16xi1> -> vector<16xf32>
          %reduce_sum3A_467 = vector.extract %reduce_sum3A_466[15] : f32 from vector<16xf32>
          %broadcast_in_dim3A_468 = vector.broadcast %reduce_sum3A_467 : f32 to vector<16xf32>
          %select_n3A_469 = arith.select %eq3A_463, %broadcast_in_dim3A_468, %select_n3A : vector<16xi1>, vector<16xf32>
          %scan3A_470 = arith.constant 2 : i32
          %scan3A_471 = arith.addi %scan3A_262, %scan3A_470 : i32
          %add3A_472 = arith.addi %mul3A_249, %scan3A_471 : i32
          %get3A_473 = arith.constant 1 : i32
          %get3A_474 = arith.index_cast %get3A_473 : i32 to index
          %get3A_475 = arith.index_cast %add3A_472 : i32 to index
          %get3A_476 = arith.constant 0 : index
          %get3A_477 = tpu.vector_load %arg11[%get3A_474, %get3A_475, %get3A_476] {strides = array<i32>} : memref<2x128x128xf32, #tpu.memory_space<vmem>>, vector<16xf32>,
          %get3A_478 = arith.constant 1 : i32
          %get3A_479 = arith.index_cast %get3A_478 : i32 to index
          %get3A_480 = arith.index_cast %add3A_472 : i32 to index
          %get3A_481 = arith.constant 0 : index
          %get3A_482 = tpu.vector_load %arg12[%get3A_479, %get3A_480, %get3A_481] {strides = array<i32>} : memref<2x128x128xf32, #tpu.memory_space<vmem>>, vector<16xf32>,
          %mul3A_483 = arith.mulf %get3A_477, %get3A_482 : vector<16xf32>
          %get3A_484 = arith.constant 1 : i32
          %get3A_485 = arith.index_cast %get3A_484 : i32 to index
          %get3A_486 = arith.index_cast %add3A_472 : i32 to index
          %get3A_487 = arith.constant 16 : index
          %get3A_488 = tpu.vector_load %arg11[%get3A_485, %get3A_486, %get3A_487] {strides = array<i32>} : memref<2x128x128xf32, #tpu.memory_space<vmem>>, vector<16xf32>,
          %get3A_489 = arith.constant 1 : i32
          %get3A_490 = arith.index_cast %get3A_489 : i32 to index
          %get3A_491 = arith.index_cast %add3A_472 : i32 to index
          %get3A_492 = arith.constant 16 : index
          %get3A_493 = tpu.vector_load %arg12[%get3A_490, %get3A_491, %get3A_492] {strides = array<i32>} : memref<2x128x128xf32, #tpu.memory_space<vmem>>, vector<16xf32>,
          %mul3A_494 = arith.mulf %get3A_488, %get3A_493 : vector<16xf32>
          %add3A_495 = arith.addf %mul3A_483, %mul3A_494 : vector<16xf32>
          %get3A_496 = arith.constant 1 : i32
          %get3A_497 = arith.index_cast %get3A_496 : i32 to index
          %get3A_498 = arith.index_cast %add3A_472 : i32 to index
          %get3A_499 = arith.constant 32 : index
          %get3A_500 = tpu.vector_load %arg11[%get3A_497, %get3A_498, %get3A_499] {strides = array<i32>} : memref<2x128x128xf32, #tpu.memory_space<vmem>>, vector<16xf32>,
          %get3A_501 = arith.constant 1 : i32
          %get3A_502 = arith.index_cast %get3A_501 : i32 to index
          %get3A_503 = arith.index_cast %add3A_472 : i32 to index
          %get3A_504 = arith.constant 32 : index
          %get3A_505 = tpu.vector_load %arg12[%get3A_502, %get3A_503, %get3A_504] {strides = array<i32>} : memref<2x128x128xf32, #tpu.memory_space<vmem>>, vector<16xf32>,
          %mul3A_506 = arith.mulf %get3A_500, %get3A_505 : vector<16xf32>
          %add3A_507 = arith.addf %add3A_495, %mul3A_506 : vector<16xf32>
          %get3A_508 = arith.constant 1 : i32
          %get3A_509 = arith.index_cast %get3A_508 : i32 to index
          %get3A_510 = arith.index_cast %add3A_472 : i32 to index
          %get3A_511 = arith.constant 48 : index
          %get3A_512 = tpu.vector_load %arg11[%get3A_509, %get3A_510, %get3A_511] {strides = array<i32>} : memref<2x128x128xf32, #tpu.memory_space<vmem>>, vector<16xf32>,
          %get3A_513 = arith.constant 1 : i32
          %get3A_514 = arith.index_cast %get3A_513 : i32 to index
          %get3A_515 = arith.index_cast %add3A_472 : i32 to index
          %get3A_516 = arith.constant 48 : index
          %get3A_517 = tpu.vector_load %arg12[%get3A_514, %get3A_515, %get3A_516] {strides = array<i32>} : memref<2x128x128xf32, #tpu.memory_space<vmem>>, vector<16xf32>,
          %mul3A_518 = arith.mulf %get3A_512, %get3A_517 : vector<16xf32>
          %add3A_519 = arith.addf %add3A_507, %mul3A_518 : vector<16xf32>
          %get3A_520 = arith.constant 1 : i32
          %get3A_521 = arith.index_cast %get3A_520 : i32 to index
          %get3A_522 = arith.index_cast %add3A_472 : i32 to index
          %get3A_523 = arith.constant 64 : index
          %get3A_524 = tpu.vector_load %arg11[%get3A_521, %get3A_522, %get3A_523] {strides = array<i32>} : memref<2x128x128xf32, #tpu.memory_space<vmem>>, vector<16xf32>,
          %get3A_525 = arith.constant 1 : i32
          %get3A_526 = arith.index_cast %get3A_525 : i32 to index
          %get3A_527 = arith.index_cast %add3A_472 : i32 to index
          %get3A_528 = arith.constant 64 : index
          %get3A_529 = tpu.vector_load %arg12[%get3A_526, %get3A_527, %get3A_528] {strides = array<i32>} : memref<2x128x128xf32, #tpu.memory_space<vmem>>, vector<16xf32>,
          %mul3A_530 = arith.mulf %get3A_524, %get3A_529 : vector<16xf32>
          %add3A_531 = arith.addf %add3A_519, %mul3A_530 : vector<16xf32>
          %get3A_532 = arith.constant 1 : i32
          %get3A_533 = arith.index_cast %get3A_532 : i32 to index
          %get3A_534 = arith.index_cast %add3A_472 : i32 to index
          %get3A_535 = arith.constant 80 : index
          %get3A_536 = tpu.vector_load %arg11[%get3A_533, %get3A_534, %get3A_535] {strides = array<i32>} : memref<2x128x128xf32, #tpu.memory_space<vmem>>, vector<16xf32>,
          %get3A_537 = arith.constant 1 : i32
          %get3A_538 = arith.index_cast %get3A_537 : i32 to index
          %get3A_539 = arith.index_cast %add3A_472 : i32 to index
          %get3A_540 = arith.constant 80 : index
          %get3A_541 = tpu.vector_load %arg12[%get3A_538, %get3A_539, %get3A_540] {strides = array<i32>} : memref<2x128x128xf32, #tpu.memory_space<vmem>>, vector<16xf32>,
          %mul3A_542 = arith.mulf %get3A_536, %get3A_541 : vector<16xf32>
          %add3A_543 = arith.addf %add3A_531, %mul3A_542 : vector<16xf32>
          %get3A_544 = arith.constant 1 : i32
          %get3A_545 = arith.index_cast %get3A_544 : i32 to index
          %get3A_546 = arith.index_cast %add3A_472 : i32 to index
          %get3A_547 = arith.constant 96 : index
          %get3A_548 = tpu.vector_load %arg11[%get3A_545, %get3A_546, %get3A_547] {strides = array<i32>} : memref<2x128x128xf32, #tpu.memory_space<vmem>>, vector<16xf32>,
          %get3A_549 = arith.constant 1 : i32
          %get3A_550 = arith.index_cast %get3A_549 : i32 to index
          %get3A_551 = arith.index_cast %add3A_472 : i32 to index
          %get3A_552 = arith.constant 96 : index
          %get3A_553 = tpu.vector_load %arg12[%get3A_550, %get3A_551, %get3A_552] {strides = array<i32>} : memref<2x128x128xf32, #tpu.memory_space<vmem>>, vector<16xf32>,
          %mul3A_554 = arith.mulf %get3A_548, %get3A_553 : vector<16xf32>
          %add3A_555 = arith.addf %add3A_543, %mul3A_554 : vector<16xf32>
          %get3A_556 = arith.constant 1 : i32
          %get3A_557 = arith.index_cast %get3A_556 : i32 to index
          %get3A_558 = arith.index_cast %add3A_472 : i32 to index
          %get3A_559 = arith.constant 112 : index
          %get3A_560 = tpu.vector_load %arg11[%get3A_557, %get3A_558, %get3A_559] {strides = array<i32>} : memref<2x128x128xf32, #tpu.memory_space<vmem>>, vector<16xf32>,
          %get3A_561 = arith.constant 1 : i32
          %get3A_562 = arith.index_cast %get3A_561 : i32 to index
          %get3A_563 = arith.index_cast %add3A_472 : i32 to index
          %get3A_564 = arith.constant 112 : index
          %get3A_565 = tpu.vector_load %arg12[%get3A_562, %get3A_563, %get3A_564] {strides = array<i32>} : memref<2x128x128xf32, #tpu.memory_space<vmem>>, vector<16xf32>,
          %mul3A_566 = arith.mulf %get3A_560, %get3A_565 : vector<16xf32>
          %add3A_567 = arith.addf %add3A_555, %mul3A_566 : vector<16xf32>
          %eq3A_568 = vector.broadcast %scan3A_471 : i32 to vector<16xi32>
          %eq3A_569 = arith.cmpi eq, %iota3A, %eq3A_568 : vector<16xi32>
          %reduce_sum3A_570 = arith.constant true
          %reduce_sum3A_571 = vector.broadcast %reduce_sum3A_570 : i1 to vector<16xi1>
          %reduce_sum3A_572 = tpu.scan <sum>, %add3A_567 masked %reduce_sum3A_571 : vector<16xf32>, vector<16xi1> -> vector<16xf32>
          %reduce_sum3A_573 = vector.extract %reduce_sum3A_572[15] : f32 from vector<16xf32>
          %broadcast_in_dim3A_574 = vector.broadcast %reduce_sum3A_573 : f32 to vector<16xf32>
          %select_n3A_575 = arith.select %eq3A_569, %broadcast_in_dim3A_574, %select_n3A_469 : vector<16xi1>, vector<16xf32>
          %scan3A_576 = arith.constant 3 : i32
          %scan3A_577 = arith.addi %scan3A_262, %scan3A_576 : i32
          %add3A_578 = arith.addi %mul3A_249, %scan3A_577 : i32
          %get3A_579 = arith.constant 1 : i32
          %get3A_580 = arith.index_cast %get3A_579 : i32 to index
          %get3A_581 = arith.index_cast %add3A_578 : i32 to index
          %get3A_582 = arith.constant 0 : index
          %get3A_583 = tpu.vector_load %arg11[%get3A_580, %get3A_581, %get3A_582] {strides = array<i32>} : memref<2x128x128xf32, #tpu.memory_space<vmem>>, vector<16xf32>,
          %get3A_584 = arith.constant 1 : i32
          %get3A_585 = arith.index_cast %get3A_584 : i32 to index
          %get3A_586 = arith.index_cast %add3A_578 : i32 to index
          %get3A_587 = arith.constant 0 : index
          %get3A_588 = tpu.vector_load %arg12[%get3A_585, %get3A_586, %get3A_587] {strides = array<i32>} : memref<2x128x128xf32, #tpu.memory_space<vmem>>, vector<16xf32>,
          %mul3A_589 = arith.mulf %get3A_583, %get3A_588 : vector<16xf32>
          %get3A_590 = arith.constant 1 : i32
          %get3A_591 = arith.index_cast %get3A_590 : i32 to index
          %get3A_592 = arith.index_cast %add3A_578 : i32 to index
          %get3A_593 = arith.constant 16 : index
          %get3A_594 = tpu.vector_load %arg11[%get3A_591, %get3A_592, %get3A_593] {strides = array<i32>} : memref<2x128x128xf32, #tpu.memory_space<vmem>>, vector<16xf32>,
          %get3A_595 = arith.constant 1 : i32
          %get3A_596 = arith.index_cast %get3A_595 : i32 to index
          %get3A_597 = arith.index_cast %add3A_578 : i32 to index
          %get3A_598 = arith.constant 16 : index
          %get3A_599 = tpu.vector_load %arg12[%get3A_596, %get3A_597, %get3A_598] {strides = array<i32>} : memref<2x128x128xf32, #tpu.memory_space<vmem>>, vector<16xf32>,
          %mul3A_600 = arith.mulf %get3A_594, %get3A_599 : vector<16xf32>
          %add3A_601 = arith.addf %mul3A_589, %mul3A_600 : vector<16xf32>
          %get3A_602 = arith.constant 1 : i32
          %get3A_603 = arith.index_cast %get3A_602 : i32 to index
          %get3A_604 = arith.index_cast %add3A_578 : i32 to index
          %get3A_605 = arith.constant 32 : index
          %get3A_606 = tpu.vector_load %arg11[%get3A_603, %get3A_604, %get3A_605] {strides = array<i32>} : memref<2x128x128xf32, #tpu.memory_space<vmem>>, vector<16xf32>,
          %get3A_607 = arith.constant 1 : i32
          %get3A_608 = arith.index_cast %get3A_607 : i32 to index
          %get3A_609 = arith.index_cast %add3A_578 : i32 to index
          %get3A_610 = arith.constant 32 : index
          %get3A_611 = tpu.vector_load %arg12[%get3A_608, %get3A_609, %get3A_610] {strides = array<i32>} : memref<2x128x128xf32, #tpu.memory_space<vmem>>, vector<16xf32>,
          %mul3A_612 = arith.mulf %get3A_606, %get3A_611 : vector<16xf32>
          %add3A_613 = arith.addf %add3A_601, %mul3A_612 : vector<16xf32>
          %get3A_614 = arith.constant 1 : i32
          %get3A_615 = arith.index_cast %get3A_614 : i32 to index
          %get3A_616 = arith.index_cast %add3A_578 : i32 to index
          %get3A_617 = arith.constant 48 : index
          %get3A_618 = tpu.vector_load %arg11[%get3A_615, %get3A_616, %get3A_617] {strides = array<i32>} : memref<2x128x128xf32, #tpu.memory_space<vmem>>, vector<16xf32>,
          %get3A_619 = arith.constant 1 : i32
          %get3A_620 = arith.index_cast %get3A_619 : i32 to index
          %get3A_621 = arith.index_cast %add3A_578 : i32 to index
          %get3A_622 = arith.constant 48 : index
          %get3A_623 = tpu.vector_load %arg12[%get3A_620, %get3A_621, %get3A_622] {strides = array<i32>} : memref<2x128x128xf32, #tpu.memory_space<vmem>>, vector<16xf32>,
          %mul3A_624 = arith.mulf %get3A_618, %get3A_623 : vector<16xf32>
          %add3A_625 = arith.addf %add3A_613, %mul3A_624 : vector<16xf32>
          %get3A_626 = arith.constant 1 : i32
          %get3A_627 = arith.index_cast %get3A_626 : i32 to index
          %get3A_628 = arith.index_cast %add3A_578 : i32 to index
          %get3A_629 = arith.constant 64 : index
          %get3A_630 = tpu.vector_load %arg11[%get3A_627, %get3A_628, %get3A_629] {strides = array<i32>} : memref<2x128x128xf32, #tpu.memory_space<vmem>>, vector<16xf32>,
          %get3A_631 = arith.constant 1 : i32
          %get3A_632 = arith.index_cast %get3A_631 : i32 to index
          %get3A_633 = arith.index_cast %add3A_578 : i32 to index
          %get3A_634 = arith.constant 64 : index
          %get3A_635 = tpu.vector_load %arg12[%get3A_632, %get3A_633, %get3A_634] {strides = array<i32>} : memref<2x128x128xf32, #tpu.memory_space<vmem>>, vector<16xf32>,
          %mul3A_636 = arith.mulf %get3A_630, %get3A_635 : vector<16xf32>
          %add3A_637 = arith.addf %add3A_625, %mul3A_636 : vector<16xf32>
          %get3A_638 = arith.constant 1 : i32
          %get3A_639 = arith.index_cast %get3A_638 : i32 to index
          %get3A_640 = arith.index_cast %add3A_578 : i32 to index
          %get3A_641 = arith.constant 80 : index
          %get3A_642 = tpu.vector_load %arg11[%get3A_639, %get3A_640, %get3A_641] {strides = array<i32>} : memref<2x128x128xf32, #tpu.memory_space<vmem>>, vector<16xf32>,
          %get3A_643 = arith.constant 1 : i32
          %get3A_644 = arith.index_cast %get3A_643 : i32 to index
          %get3A_645 = arith.index_cast %add3A_578 : i32 to index
          %get3A_646 = arith.constant 80 : index
          %get3A_647 = tpu.vector_load %arg12[%get3A_644, %get3A_645, %get3A_646] {strides = array<i32>} : memref<2x128x128xf32, #tpu.memory_space<vmem>>, vector<16xf32>,
          %mul3A_648 = arith.mulf %get3A_642, %get3A_647 : vector<16xf32>
          %add3A_649 = arith.addf %add3A_637, %mul3A_648 : vector<16xf32>
          %get3A_650 = arith.constant 1 : i32
          %get3A_651 = arith.index_cast %get3A_650 : i32 to index
          %get3A_652 = arith.index_cast %add3A_578 : i32 to index
          %get3A_653 = arith.constant 96 : index
          %get3A_654 = tpu.vector_load %arg11[%get3A_651, %get3A_652, %get3A_653] {strides = array<i32>} : memref<2x128x128xf32, #tpu.memory_space<vmem>>, vector<16xf32>,
          %get3A_655 = arith.constant 1 : i32
          %get3A_656 = arith.index_cast %get3A_655 : i32 to index
          %get3A_657 = arith.index_cast %add3A_578 : i32 to index
          %get3A_658 = arith.constant 96 : index
          %get3A_659 = tpu.vector_load %arg12[%get3A_656, %get3A_657, %get3A_658] {strides = array<i32>} : memref<2x128x128xf32, #tpu.memory_space<vmem>>, vector<16xf32>,
          %mul3A_660 = arith.mulf %get3A_654, %get3A_659 : vector<16xf32>
          %add3A_661 = arith.addf %add3A_649, %mul3A_660 : vector<16xf32>
          %get3A_662 = arith.constant 1 : i32
          %get3A_663 = arith.index_cast %get3A_662 : i32 to index
          %get3A_664 = arith.index_cast %add3A_578 : i32 to index
          %get3A_665 = arith.constant 112 : index
          %get3A_666 = tpu.vector_load %arg11[%get3A_663, %get3A_664, %get3A_665] {strides = array<i32>} : memref<2x128x128xf32, #tpu.memory_space<vmem>>, vector<16xf32>,
          %get3A_667 = arith.constant 1 : i32
          %get3A_668 = arith.index_cast %get3A_667 : i32 to index
          %get3A_669 = arith.index_cast %add3A_578 : i32 to index
          %get3A_670 = arith.constant 112 : index
          %get3A_671 = tpu.vector_load %arg12[%get3A_668, %get3A_669, %get3A_670] {strides = array<i32>} : memref<2x128x128xf32, #tpu.memory_space<vmem>>, vector<16xf32>,
          %mul3A_672 = arith.mulf %get3A_666, %get3A_671 : vector<16xf32>
          %add3A_673 = arith.addf %add3A_661, %mul3A_672 : vector<16xf32>
          %eq3A_674 = vector.broadcast %scan3A_577 : i32 to vector<16xi32>
          %eq3A_675 = arith.cmpi eq, %iota3A, %eq3A_674 : vector<16xi32>
          %reduce_sum3A_676 = arith.constant true
          %reduce_sum3A_677 = vector.broadcast %reduce_sum3A_676 : i1 to vector<16xi1>
          %reduce_sum3A_678 = tpu.scan <sum>, %add3A_673 masked %reduce_sum3A_677 : vector<16xf32>, vector<16xi1> -> vector<16xf32>
          %reduce_sum3A_679 = vector.extract %reduce_sum3A_678[15] : f32 from vector<16xf32>
          %broadcast_in_dim3A_680 = vector.broadcast %reduce_sum3A_679 : f32 to vector<16xf32>
          %select_n3A_681 = arith.select %eq3A_675, %broadcast_in_dim3A_680, %select_n3A_575 : vector<16xi1>, vector<16xf32>
          scf.yield %select_n3A_681 : vector<16xf32>
        }
        %scan3A_256 = arith.constant 16 : i32
        %mul3A_257 = arith.constant 128 : i32
        %mul3A_258 = arith.muli %add3A_230, %mul3A_257 : i32
        %add3A_259 = arith.addi %mul3A_258, %mul3A_249 : i32
        %swap3A = arith.index_cast %add3A_259 : i32 to index
        %swap3A_260 = tpu.vector_load %arg15[%swap3A] {strides = array<i32>} : memref<512xf32, #tpu.memory_space<vmem>>, vector<16xf32>,
        tpu.vector_store %arg15[%swap3A], %scan3A_255 {strides = array<i32>} : memref<512xf32, #tpu.memory_space<vmem>>, vector<16xf32>,
        %scan3A_261 = arith.constant 0 : i32
        scf.yield %scan3A_261 : i32
      }
      %scan3A_237 = arith.constant 8 : i32
      %add3A_238 = arith.constant 3 : i32
      %add3A_239 = arith.addi %mul3A_157, %add3A_238 : i32
      %lt3A_240 = arith.constant 4 : i32
      %lt3A_241 = arith.cmpi slt, %add3A_239, %lt3A_240 : i32
      %convert_element_type3A_242 = arith.extui %lt3A_241 : i1 to i32
      %cond3A_243 = arith.constant 0 : i32
      %cond3A_244 = arith.cmpi ne, %convert_element_type3A_242, %cond3A_243 : i32
      scf.if %cond3A_244 {
        %add3A_246 = arith.constant 3 : i32
        %add3A_247 = arith.addi %mul3A_157, %add3A_246 : i32
        %mul3A_248 = arith.constant 128 : i32
        %mul3A_249 = arith.muli %add3A_247, %mul3A_248 : i32
        %dma_start3A_250 = arith.constant 1 : i32
        %dma_start3A_251 = arith.constant 0 : i32
        %dma_start3A_252 = arith.constant 0 : i32
        %dma_start3A_253 = tpu.memref_slice %arg11[%dma_start3A_250, %dma_start3A_251, %dma_start3A_252] : memref<2x128x128xf32, #tpu.memory_space<vmem>> -> memref<1x128x128xf32, #tpu.memory_space<vmem>>
        %dma_start3A_254 = tpu.memref_squeeze %dma_start3A_253 : memref<1x128x128xf32, #tpu.memory_space<vmem>> -> memref<128x128xf32, #tpu.memory_space<vmem>>
        %dma_start3A_255 = tpu.memref_slice %arg9[%mul3A_249] : memref<512xi32, #tpu.memory_space<vmem>> -> memref<128xi32, #tpu.memory_space<vmem>>
        %dma_start3A_256 = arith.constant 0 : i32
        %dma_start3A_257 = arith.constant 0 : i32
        %dma_start3A_258 = tpu.memref_slice %arg4[%dma_start3A_256, %dma_start3A_257] : memref<100000x128xf32, #tpu.memory_space<hbm>> -> memref<100000x128xf32, #tpu.memory_space<hbm>>
        tpu.enqueue_indirect_dma source(%dma_start3A_258 : memref<100000x128xf32, #tpu.memory_space<hbm>>) target(%dma_start3A_254 : memref<128x128xf32, #tpu.memory_space<vmem>>) offsets(%dma_start3A_255 : memref<128xi32, #tpu.memory_space<vmem>>) semaphore(%arg17 : memref<!tpu.dma_semaphore, #tpu.memory_space<semaphore_mem>>)
        %dma_start3A_259 = arith.constant 1 : i32
        %dma_start3A_260 = arith.constant 0 : i32
        %dma_start3A_261 = arith.constant 0 : i32
        %dma_start3A_262 = tpu.memref_slice %arg12[%dma_start3A_259, %dma_start3A_260, %dma_start3A_261] : memref<2x128x128xf32, #tpu.memory_space<vmem>> -> memref<1x128x128xf32, #tpu.memory_space<vmem>>
        %dma_start3A_263 = tpu.memref_squeeze %dma_start3A_262 : memref<1x128x128xf32, #tpu.memory_space<vmem>> -> memref<128x128xf32, #tpu.memory_space<vmem>>
        %dma_start3A_264 = tpu.memref_slice %arg10[%mul3A_249] : memref<512xi32, #tpu.memory_space<vmem>> -> memref<128xi32, #tpu.memory_space<vmem>>
        %dma_start3A_265 = arith.constant 0 : i32
        %dma_start3A_266 = arith.constant 0 : i32
        %dma_start3A_267 = tpu.memref_slice %arg5[%dma_start3A_265, %dma_start3A_266] : memref<100000x128xf32, #tpu.memory_space<hbm>> -> memref<100000x128xf32, #tpu.memory_space<hbm>>
        tpu.enqueue_indirect_dma source(%dma_start3A_267 : memref<100000x128xf32, #tpu.memory_space<hbm>>) target(%dma_start3A_263 : memref<128x128xf32, #tpu.memory_space<vmem>>) offsets(%dma_start3A_264 : memref<128xi32, #tpu.memory_space<vmem>>) semaphore(%arg17 : memref<!tpu.dma_semaphore, #tpu.memory_space<semaphore_mem>>)
      } else {
      }
      %scan3A_245 = arith.constant 0 : i32
      scf.yield %scan3A_245 : i32
    }
    %scan3A_99 = arith.constant 2 : i32
    %dma_wait3A = arith.constant 0 : i32
    %dma_wait3A_100 = tpu.memref_slice %arg13[%dma_wait3A] : memref<512xf32, #tpu.memory_space<vmem>> -> memref<128xf32, #tpu.memory_space<vmem>>
    %dma_wait3A_101 = arith.constant 0 : i32
    %dma_wait3A_102 = tpu.memref_slice %arg9[%dma_wait3A_101] : memref<512xi32, #tpu.memory_space<vmem>> -> memref<128xi32, #tpu.memory_space<vmem>>
    %dma_wait3A_103 = arith.constant 0 : i32
    %dma_wait3A_104 = tpu.memref_slice %arg6[%dma_wait3A_103] : memref<100000xf32, #tpu.memory_space<hbm>> -> memref<100000xf32, #tpu.memory_space<hbm>>
    tpu.wait_indirect_dma semaphore(%arg18 : memref<!tpu.dma_semaphore, #tpu.memory_space<semaphore_mem>>) src(%dma_wait3A_104 : memref<100000xf32, #tpu.memory_space<hbm>>) dst(%dma_wait3A_100 : memref<128xf32, #tpu.memory_space<vmem>>)
    %dma_wait3A_105 = arith.constant 0 : i32
    %dma_wait3A_106 = tpu.memref_slice %arg14[%dma_wait3A_105] : memref<512xf32, #tpu.memory_space<vmem>> -> memref<128xf32, #tpu.memory_space<vmem>>
    %dma_wait3A_107 = arith.constant 0 : i32
    %dma_wait3A_108 = tpu.memref_slice %arg10[%dma_wait3A_107] : memref<512xi32, #tpu.memory_space<vmem>> -> memref<128xi32, #tpu.memory_space<vmem>>
    %dma_wait3A_109 = arith.constant 0 : i32
    %dma_wait3A_110 = tpu.memref_slice %arg7[%dma_wait3A_109] : memref<100000xf32, #tpu.memory_space<hbm>> -> memref<100000xf32, #tpu.memory_space<hbm>>
    tpu.wait_indirect_dma semaphore(%arg18 : memref<!tpu.dma_semaphore, #tpu.memory_space<semaphore_mem>>) src(%dma_wait3A_110 : memref<100000xf32, #tpu.memory_space<hbm>>) dst(%dma_wait3A_106 : memref<128xf32, #tpu.memory_space<vmem>>)
    %dma_wait3A_111 = arith.constant 128 : i32
    %dma_wait3A_112 = tpu.memref_slice %arg13[%dma_wait3A_111] : memref<512xf32, #tpu.memory_space<vmem>> -> memref<128xf32, #tpu.memory_space<vmem>>
    %dma_wait3A_113 = arith.constant 128 : i32
    %dma_wait3A_114 = tpu.memref_slice %arg9[%dma_wait3A_113] : memref<512xi32, #tpu.memory_space<vmem>> -> memref<128xi32, #tpu.memory_space<vmem>>
    %dma_wait3A_115 = arith.constant 0 : i32
    %dma_wait3A_116 = tpu.memref_slice %arg6[%dma_wait3A_115] : memref<100000xf32, #tpu.memory_space<hbm>> -> memref<100000xf32, #tpu.memory_space<hbm>>
    tpu.wait_indirect_dma semaphore(%arg18 : memref<!tpu.dma_semaphore, #tpu.memory_space<semaphore_mem>>) src(%dma_wait3A_116 : memref<100000xf32, #tpu.memory_space<hbm>>) dst(%dma_wait3A_112 : memref<128xf32, #tpu.memory_space<vmem>>)
    %dma_wait3A_117 = arith.constant 128 : i32
    %dma_wait3A_118 = tpu.memref_slice %arg14[%dma_wait3A_117] : memref<512xf32, #tpu.memory_space<vmem>> -> memref<128xf32, #tpu.memory_space<vmem>>
    %dma_wait3A_119 = arith.constant 128 : i32
    %dma_wait3A_120 = tpu.memref_slice %arg10[%dma_wait3A_119] : memref<512xi32, #tpu.memory_space<vmem>> -> memref<128xi32, #tpu.memory_space<vmem>>
    %dma_wait3A_121 = arith.constant 0 : i32
    %dma_wait3A_122 = tpu.memref_slice %arg7[%dma_wait3A_121] : memref<100000xf32, #tpu.memory_space<hbm>> -> memref<100000xf32, #tpu.memory_space<hbm>>
    tpu.wait_indirect_dma semaphore(%arg18 : memref<!tpu.dma_semaphore, #tpu.memory_space<semaphore_mem>>) src(%dma_wait3A_122 : memref<100000xf32, #tpu.memory_space<hbm>>) dst(%dma_wait3A_118 : memref<128xf32, #tpu.memory_space<vmem>>)
    %dma_wait3A_123 = arith.constant 256 : i32
    %dma_wait3A_124 = tpu.memref_slice %arg13[%dma_wait3A_123] : memref<512xf32, #tpu.memory_space<vmem>> -> memref<128xf32, #tpu.memory_space<vmem>>
    %dma_wait3A_125 = arith.constant 256 : i32
    %dma_wait3A_126 = tpu.memref_slice %arg9[%dma_wait3A_125] : memref<512xi32, #tpu.memory_space<vmem>> -> memref<128xi32, #tpu.memory_space<vmem>>
    %dma_wait3A_127 = arith.constant 0 : i32
    %dma_wait3A_128 = tpu.memref_slice %arg6[%dma_wait3A_127] : memref<100000xf32, #tpu.memory_space<hbm>> -> memref<100000xf32, #tpu.memory_space<hbm>>
    tpu.wait_indirect_dma semaphore(%arg18 : memref<!tpu.dma_semaphore, #tpu.memory_space<semaphore_mem>>) src(%dma_wait3A_128 : memref<100000xf32, #tpu.memory_space<hbm>>) dst(%dma_wait3A_124 : memref<128xf32, #tpu.memory_space<vmem>>)
    %dma_wait3A_129 = arith.constant 256 : i32
    %dma_wait3A_130 = tpu.memref_slice %arg14[%dma_wait3A_129] : memref<512xf32, #tpu.memory_space<vmem>> -> memref<128xf32, #tpu.memory_space<vmem>>
    %dma_wait3A_131 = arith.constant 256 : i32
    %dma_wait3A_132 = tpu.memref_slice %arg10[%dma_wait3A_131] : memref<512xi32, #tpu.memory_space<vmem>> -> memref<128xi32, #tpu.memory_space<vmem>>
    %dma_wait3A_133 = arith.constant 0 : i32
    %dma_wait3A_134 = tpu.memref_slice %arg7[%dma_wait3A_133] : memref<100000xf32, #tpu.memory_space<hbm>> -> memref<100000xf32, #tpu.memory_space<hbm>>
    tpu.wait_indirect_dma semaphore(%arg18 : memref<!tpu.dma_semaphore, #tpu.memory_space<semaphore_mem>>) src(%dma_wait3A_134 : memref<100000xf32, #tpu.memory_space<hbm>>) dst(%dma_wait3A_130 : memref<128xf32, #tpu.memory_space<vmem>>)
    %dma_wait3A_135 = arith.constant 384 : i32
    %dma_wait3A_136 = tpu.memref_slice %arg13[%dma_wait3A_135] : memref<512xf32, #tpu.memory_space<vmem>> -> memref<128xf32, #tpu.memory_space<vmem>>
    %dma_wait3A_137 = arith.constant 384 : i32
    %dma_wait3A_138 = tpu.memref_slice %arg9[%dma_wait3A_137] : memref<512xi32, #tpu.memory_space<vmem>> -> memref<128xi32, #tpu.memory_space<vmem>>
    %dma_wait3A_139 = arith.constant 0 : i32
    %dma_wait3A_140 = tpu.memref_slice %arg6[%dma_wait3A_139] : memref<100000xf32, #tpu.memory_space<hbm>> -> memref<100000xf32, #tpu.memory_space<hbm>>
    tpu.wait_indirect_dma semaphore(%arg18 : memref<!tpu.dma_semaphore, #tpu.memory_space<semaphore_mem>>) src(%dma_wait3A_140 : memref<100000xf32, #tpu.memory_space<hbm>>) dst(%dma_wait3A_136 : memref<128xf32, #tpu.memory_space<vmem>>)
    %dma_wait3A_141 = arith.constant 384 : i32
    %dma_wait3A_142 = tpu.memref_slice %arg14[%dma_wait3A_141] : memref<512xf32, #tpu.memory_space<vmem>> -> memref<128xf32, #tpu.memory_space<vmem>>
    %dma_wait3A_143 = arith.constant 384 : i32
    %dma_wait3A_144 = tpu.memref_slice %arg10[%dma_wait3A_143] : memref<512xi32, #tpu.memory_space<vmem>> -> memref<128xi32, #tpu.memory_space<vmem>>
    %dma_wait3A_145 = arith.constant 0 : i32
    %dma_wait3A_146 = tpu.memref_slice %arg7[%dma_wait3A_145] : memref<100000xf32, #tpu.memory_space<hbm>> -> memref<100000xf32, #tpu.memory_space<hbm>>
    tpu.wait_indirect_dma semaphore(%arg18 : memref<!tpu.dma_semaphore, #tpu.memory_space<semaphore_mem>>) src(%dma_wait3A_146 : memref<100000xf32, #tpu.memory_space<hbm>>) dst(%dma_wait3A_142 : memref<128xf32, #tpu.memory_space<vmem>>)
    %scan3A_147 = arith.constant 0 : i32
    %scan3A_148 = arith.constant 0 : i32
    %scan3A_149 = arith.constant 32 : i32
    %scan3A_150 = arith.addi %scan3A_148, %scan3A_149 : i32
    %scan3A_151 = arith.constant 1 : i32
    %scan3A_152 = scf.for %scan3A_154 = %scan3A_148 to %scan3A_150 step %scan3A_151 iter_args(%scan3A_155 = %scan3A_147) -> (i32)  : i32 {
      %mul3A_156 = arith.constant 16 : i32
      %mul3A_157 = arith.muli %scan3A_154, %mul3A_156 : i32
      %get3A = arith.index_cast %mul3A_157 : i32 to index
      %get3A_158 = tpu.vector_load %arg15[%get3A] {strides = array<i32>} : memref<512xf32, #tpu.memory_space<vmem>>, vector<16xf32>,
      %get3A_159 = arith.index_cast %mul3A_157 : i32 to index
      %get3A_160 = tpu.vector_load %arg13[%get3A_159] {strides = array<i32>} : memref<512xf32, #tpu.memory_space<vmem>>, vector<16xf32>,
      %add3A_161 = arith.addf %get3A_158, %get3A_160 : vector<16xf32>
      %get3A_162 = arith.index_cast %mul3A_157 : i32 to index
      %get3A_163 = tpu.vector_load %arg14[%get3A_162] {strides = array<i32>} : memref<512xf32, #tpu.memory_space<vmem>>, vector<16xf32>,
      %add3A_164 = arith.addf %add3A_161, %get3A_163 : vector<16xf32>
      %neg3A = arith.constant 0.000000e+00 : f32
      %neg3A_165 = vector.broadcast %neg3A : f32 to vector<16xf32>
      %neg3A_166 = arith.subf %neg3A_165, %add3A_164 : vector<16xf32>
      %exp3A = math.exp %neg3A_166 : vector<16xf32>
      %add3A_167 = arith.constant 1.000000e+00 : f32
      %add3A_168 = vector.broadcast %add3A_167 : f32 to vector<16xf32>
      %add3A_169 = arith.addf %add3A_168, %exp3A : vector<16xf32>
      %div3A = arith.constant 1.000000e+00 : f32
      %div3A_170 = vector.broadcast %div3A : f32 to vector<16xf32>
      %div3A_171 = arith.divf %div3A_170, %add3A_169 : vector<16xf32>
      %swap3A = arith.index_cast %mul3A_157 : i32 to index
      %swap3A_172 = tpu.vector_load %arg15[%swap3A] {strides = array<i32>} : memref<512xf32, #tpu.memory_space<vmem>>, vector<16xf32>,
      tpu.vector_store %arg15[%swap3A], %div3A_171 {strides = array<i32>} : memref<512xf32, #tpu.memory_space<vmem>>, vector<16xf32>,
      %scan3A_173 = arith.constant 0 : i32
      scf.yield %scan3A_173 : i32
    }
    %scan3A_153 = arith.constant 32 : i32
    "tpu.region"() ({
      %run_scoped3A = tpu.sem_alloc : memref<!tpu.dma_semaphore, #tpu.memory_space<semaphore_mem>>
      %dma_start3A_154 = tpu.memref_slice %arg8[%mul3A_2] : memref<16384xf32, #tpu.memory_space<hbm>> -> memref<512xf32, #tpu.memory_space<hbm>>
      %dma_start3A_155 = tpu.memref_slice %arg8[%mul3A_2] : memref<16384xf32, #tpu.memory_space<hbm>> -> memref<512xf32, #tpu.memory_space<hbm>>
      tpu.enqueue_dma source(%arg15 : memref<512xf32, #tpu.memory_space<vmem>>) target(%dma_start3A_155 : memref<512xf32, #tpu.memory_space<hbm>>) target_semaphore(%run_scoped3A : memref<!tpu.dma_semaphore, #tpu.memory_space<semaphore_mem>>)
      %dma_wait3A_156 = tpu.memref_slice %arg8[%mul3A_2] : memref<16384xf32, #tpu.memory_space<hbm>> -> memref<512xf32, #tpu.memory_space<hbm>>
      %dma_wait3A_157 = tpu.memref_slice %arg8[%mul3A_2] : memref<16384xf32, #tpu.memory_space<hbm>> -> memref<512xf32, #tpu.memory_space<hbm>>
      tpu.wait_dma2 semaphore(%run_scoped3A : memref<!tpu.dma_semaphore, #tpu.memory_space<semaphore_mem>>) src(%arg15 : memref<512xf32, #tpu.memory_space<vmem>>) dst(%dma_wait3A_157 : memref<512xf32, #tpu.memory_space<hbm>>)
      tpu.yield
    }) : () -> ()
    return
  }
}

</mosaic_0001>

<sc_bundles>
// kernel: kernel.3.cloned.1.call-start
scs
__scs_entry_jumppad:
0x0: {  	(pc) =	sbr.rel $0x88, $3  }
0x1: {  	(tag) =	ssettag $0x0;
	lr =	simm.s32 $0x1  }
0x2: {  	[smem:$0x3F9B] =	sst lr;
	_ =	strace $0xD0000000  }
0x3: {  	_ = 	snop  }
0x4: {  	_ = 	snop  }
0x5: {  	_ = 	snop  }
0x6: {  	_ = 	snop  }
0x7: {  	_ = 	snop  }
__scs_overlays_trampoline_lowered:
0x8: {  	[smem:$0x3FAA] =	sst s0  }
0x9: {  	[smem:$0x3FAB] =	sst s1  }
0xa: {  	[smem:$0x3FAC] =	sst s2  }
0xb: {  	[smem:$0x3FAD] =	sst s3  }
0xc: {  	[smem:$0x3FAE] =	sst s4  }
0xd: {  	[smem:$0x3FAF] =	sst s5  }
0xe: {  	[smem:$0x3FB0] =	sst s6  }
0xf: {  	[smem:$0x3FB1] =	sst s7  }
0x10: {  	[smem:$0x3FB2] =	sst s8  }
0x11: {  	[smem:$0x3FB3] =	sst s9;
	s0 =	simm.s32 @!p0 $0x0  }
0x12: {  	s1 =	sld [smem:$0x3F99];
	s0 =	simm.s32 @p0 $0x1  }
0x13: {  	[smem:$0x3FB4] =	sst s0;
	s0 =	simm.s32 @!p1 $0x0  }
0x14: {  	s2 =	sld [smem:$0x3F98];
	s0 =	simm.s32 @p1 $0x1  }
0x15: {  	[smem:$0x3FB5] =	sst s0;
	s0 =	simm.s32 @!p2 $0x0  }
0x16: {  	s3 =	sld [smem:$0x3FDB];
	s0 =	simm.s32 @p2 $0x1  }
0x17: {  	s4 =	simm.s32 $0x1BF5;
	[smem:$0x3FB7] =	sst s0  }
0x18: {  	s0 =	sld [smem:$0x3F9A];
	_ =	swait.ge [sflag:s4], $0x0  }
0x19: {  	s7 =	sld [smem:$0x3F9B]  }
0x1a: {  	s8 =	sadd.s32 $0xFFFFE003, lr  }
0x1b: {  	s9 =	sadd.s32 $0xFFFFFEF7, lr;
	s5 =	simm.s32 $0xFFFFFFFF;
	p2 =	slt.u32 s8, $0xFFFFF086  }
0x1c: {  	p1 =	slt.u32 s9, $0xF7A;
	s5 =	simm.s32 @!p2 $0x0  }
0x1d: {  	s5 =	simm.s32 @p1 $0x1;
	p0 =	seq.s32 s7, s2  }
0x1e: {  	s7 =	smul.u32 @!p0 $0xF7A, s2;
	p2 =	seq.s32 @!p0 s5, $0x0  }
0x1f: {  	s9 =	smul.u32 $0xF7A, s1;
	s8 =	simm.s32 @!p0 $0x1BF5;
	p2 =	por !p2, p0  }
0x20: {  	[sflag:s8] =	ssyncset.s32 @!p0 $0xFFFFF086;
	s6 =	sadd.s32 @!p0 s3, s7;
	s7 =	simm.s32 @!p0 $0x108  }
0x21: {  	s3 =	sadd.s32 s3, s9;
	s6 =	sadd.s32 @!p0 $0x88, s6;
	s7 =	simm.s32 @p2 $0x1082  }
0x22: {  	[simem:s7], [sflag:s8] =	dma.local @!p0 [hbm:s6], $0xF7A  }
0x23: {  	s9 =	sor.u32 $0xD0000000, s2;
	s6 =	simm.s32 $0x108;
	_ =	swait.ge @!p0 [sflag:s8], $0x0  }
0x24: {  	s3 =	sadd.s32 $0x88, s3;
	s6 =	simm.s32 @!p1 $0x1082;
	[sflag:s4] =	ssyncset.s32 $0xFFFFF086  }
0x25: {  	[simem:s6], [sflag:s4] =	dma.local [hbm:s3], $0xF7A  }
0x26: {  	[smem:$0x3F9B] =	sst s1;
	(tag) =	ssettag s2;
	_ =	strace s9  }
0x27: {  	s1 =	sld [smem:$0x3FAB]  }
0x28: {  	s2 =	sld [smem:$0x3FAC]  }
0x29: {  	s4 =	sld [smem:$0x3FAE]  }
0x2a: {  	p0 =	seq.s32 s5, $0x0;
	s5 =	sld [smem:$0x3FAF]  }
0x2b: {  	s6 =	sld [smem:$0x3FB0]  }
0x2c: {  	s7 =	sld [smem:$0x3FB1]  }
0x2d: {  	s3 =	simm.s32 $0x108;
	s8 =	sld [smem:$0x3FB2]  }
0x2e: {  	s3 =	simm.s32 @!p0 $0x1082;
	s9 =	sld [smem:$0x3FB3]  }
0x2f: {  	lr =	sadd.s32 s0, s3;
	s0 =	sld [smem:$0x3FAA]  }
0x30: {  	s3 =	sld [smem:$0x3FAD]  }
0x31: {  	[smem:$0x3FB6] =	sst s10  }
0x32: {  	s10 =	sld [smem:$0x3FB4];
	_ =	sdelay $0x3  }
0x33: {  	p0 =	seq.s32 s10, $0x1;
	s10 =	sld [smem:$0x3FB6];
	_ =	sdelay $0x3  }
0x34: {  	[smem:$0x3FB6] =	sst s10  }
0x35: {  	s10 =	sld [smem:$0x3FB5];
	_ =	sdelay $0x3  }
0x36: {  	p1 =	seq.s32 s10, $0x1;
	s10 =	sld [smem:$0x3FB6];
	_ =	sdelay $0x3  }
0x37: {  	[smem:$0x3FB6] =	sst s10  }
0x38: {  	s10 =	sld [smem:$0x3FB7]  }
0x39: {  	_ = 	snop;
	(pc) =	sbr.ind lr, $3  }
0x3a: {  	_ = 	snop  }
0x3b: {  	_ = 	snop  }
0x3c: {  	p2 =	seq.s32 s10, $0x1;
	s10 =	sld [smem:$0x3FB6]  }
0x3d: {  	_ =	shalt  }
0x3e: {  	_ =	shalt  }
0x3f: {  	_ =	shalt  }
0x40: {  	_ =	shalt  }
0x41: {  	_ =	shalt  }
0x42: {  	_ =	shalt  }
0x43: {  	_ =	shalt  }
0x44: {  	_ =	shalt  }
0x45: {  	_ =	shalt  }
0x46: {  	_ =	shalt  }
0x47: {  	_ =	shalt  }
0x48: {  	_ =	shalt  }
0x49: {  	_ =	shalt  }
0x4a: {  	_ =	shalt  }
0x4b: {  	_ =	shalt  }
0x4c: {  	_ =	shalt  }
0x4d: {  	_ =	shalt  }
0x4e: {  	_ =	shalt  }
0x4f: {  	_ =	shalt  }
0x50: {  	_ =	shalt  }
0x51: {  	_ =	shalt  }
0x52: {  	_ =	shalt  }
0x53: {  	_ =	shalt  }
0x54: {  	_ =	shalt  }
0x55: {  	_ =	shalt  }
0x56: {  	_ =	shalt  }
0x57: {  	_ =	shalt  }
0x58: {  	_ =	shalt  }
0x59: {  	_ =	shalt  }
0x5a: {  	_ =	shalt  }
0x5b: {  	_ =	shalt  }
0x5c: {  	_ =	shalt  }
0x5d: {  	_ =	shalt  }
0x5e: {  	_ =	shalt  }
0x5f: {  	_ =	shalt  }
0x60: {  	_ =	shalt  }
0x61: {  	_ =	shalt  }
0x62: {  	_ =	shalt  }
0x63: {  	_ =	shalt  }
0x64: {  	_ =	shalt  }
0x65: {  	_ =	shalt  }
0x66: {  	_ =	shalt  }
0x67: {  	_ =	shalt  }
0x68: {  	_ =	shalt  }
0x69: {  	_ =	shalt  }
0x6a: {  	_ =	shalt  }
0x6b: {  	_ =	shalt  }
0x6c: {  	_ =	shalt  }
0x6d: {  	_ =	shalt  }
0x6e: {  	_ =	shalt  }
0x6f: {  	_ =	shalt  }
0x70: {  	_ =	shalt  }
0x71: {  	_ =	shalt  }
0x72: {  	_ =	shalt  }
0x73: {  	_ =	shalt  }
0x74: {  	_ =	shalt  }
0x75: {  	_ =	shalt  }
0x76: {  	_ =	shalt  }
0x77: {  	_ =	shalt  }
0x78: {  	_ =	shalt  }
0x79: {  	_ =	shalt  }
0x7a: {  	_ =	shalt  }
0x7b: {  	_ =	shalt  }
0x7c: {  	_ =	shalt  }
0x7d: {  	_ =	shalt  }
0x7e: {  	_ =	shalt  }
0x7f: {  	_ =	shalt  }
0x80: {  	_ =	shalt  }
0x81: {  	_ =	shalt  }
0x82: {  	_ =	shalt  }
0x83: {  	_ =	shalt  }
0x84: {  	_ =	shalt  }
0x85: {  	_ =	shalt  }
0x86: {  	_ =	shalt  }
0x87: {  	_ =	shalt  }
.Lfunc_end0:
.L_simem_size_0:
called_computation_lowered:
.L_overlay_start_0:
0x88: {  	s2 =	sld [smem:$0x3FD9]  }
0x89: {  	s3 =	sld [smem:$0x3FFE];
	_ =	sdelay $0x1  }
0x8a: {  	s1 =	srdreg.scid  }
0x8b: {  	s0 =	sand.u32 $0x1, s1  }
0x8c: {  	s17 =	sshll.u32 s0, $0xA;
	s2 =	sadd.s32 s3, s2  }
0x8d: {  	s2 =	sadd.s32 s2, s17  }
0x8e: {  	[smem:$0x3FC2] =	sst s2  }
0x8f: {  	_ = 	snop  }
0x90: {  	s2 =	sld [smem:$0x3FC9]  }
0x91: {  	s18 =	sld [smem:$0x3FC8]  }
0x92: {  	s4 =	sld [smem:$0x3FC7]  }
0x93: {  	s5 =	sld [smem:$0x3FC6]  }
0x94: {  	s6 =	sld [smem:$0x3FD0];
	(tm) =	ssettm $0x1  }
0x95: {  	s7 =	sld [smem:$0x3FFB];
	_ =	sdelay $0x3  }
0x96: {  	_ =	strace s7  }
0x97: {  	s7 =	sld [smem:$0x3FFC];
	_ =	sdelay $0x3  }
0x98: {  	_ =	strace s7  }
0x99: {  	s7 =	sld [smem:$0x3FFD];
	_ =	sdelay $0x3  }
0x9a: {  	_ =	strace s7  }
0x9b: {  	_ =	strace $0x8FFFFFFF  }
0x9c: {  	s19 =	sld [smem:$0x3FDB];
	_ =	sdelay $0x1  }
0x9d: {  	s8 =	simm.s32 $_scs_section_size  }
0x9e: {  	s9 =	simm.s32 $_size__tile_overlayer_lowered;
	s10 =	simm.s32 $_tile_overlayer_lowered  }
0x9f: {  	s22 =	simm.s32 $0x1BFF;
	s21 =	sshll.u32 s10, $0x1;
	s7 =	sadd.s32 s8, s19  }
0xa0: {  	s11 =	simm.s32 $0x0;
	s20 =	sshll.u32 s9, $0x1;
	s9 =	sadd.s32 s21, s7  }
0xa1: {  	[timem:s11], [sflag:s22] =	dma.local [hbm:s9], s20  }
0xa2: {  	_ =	swait.ge [sflag:s22], s20  }
0xa3: {  	s8 =	ssub.s32 $0x0, s20;
	[sflag:s22] =	ssyncset.done $0x0  }
0xa4: {  	[sflag:s22] =	ssyncadd.s32 s8;
	_ =	sdelay $0x1  }
0xa5: {  	s23 =	simm.s32 $0x1B8B  }
0xa6: {  	_ =	swait.ge [sflag:s23], $0x1  }
0xa7: {  	[sflag:s23] =	ssyncset.done $0x0  }
0xa8: {  	s25 =	simm.s32 $0x1B8E;
	s24 =	sld [smem:$0x3FFE];
	[sflag:s23] =	ssyncadd.s32 $0xFFFFFFFF  }
0xa9: {  	s26 =	simm.s32 $execute0_lowered;
	[smem:$0x3FD2] =	sst s25  }
0xaa: {  	s9 =	sshll.u32 s26, $0x1;
	_ =	strace $0x80000046;
	[dreg:$0x1] =	wrdreg $0xFFFFFFFF  }
0xab: {  	s28 =	simm.s32 $_size_execute0_lowered;
	s7 =	sadd.s32 s7, s9;
	[dreg:$0x0] =	wrdreg $0x0  }
0xac: {  	s9 =	sshll.u32 s28, $0x1;
	[dreg:$0x2] =	wrdreg s7  }
0xad: {  	[dreg:$0x3] =	wrdreg s9  }
0xae: {  	[dreg:$0x4] =	wrdreg $0xC0  }
0xaf: {  	_ =	task [dreg:s11], $0x5FFFF  }
0xb0: {  	[dreg:$0x1] =	wrdreg $0xFFFFFFFF  }
0xb1: {  	[dreg:$0x0] =	wrdreg $0x60  }
0xb2: {  	[dreg:$0x2] =	wrdreg s2  }
0xb3: {  	[dreg:$0x3] =	wrdreg s18  }
0xb4: {  	[dreg:$0x4] =	wrdreg s4  }
0xb5: {  	[dreg:$0x5] =	wrdreg s5  }
0xb6: {  	[dreg:$0x6] =	wrdreg s24  }
0xb7: {  	[dreg:$0x7] =	wrdreg s6  }
0xb8: {  	[dreg:$0x8] =	wrdreg $0x9  }
0xb9: {  	_ =	task.clear_ibuf [dreg:s11], $0x9FFFF;
	_ =	strace $0x90000046  }
0xba: {  	s29 =	simm.s32 $0x9;
	_ =	strace $0x80000048  }
0xbb: {  	_ =	swait.ge [sflag:s29], $0x1  }
0xbc: {  	[sflag:s29] =	ssyncadd.s32 $0xFFFFFFFF  }
0xbd: {  	_ =	strace $0x90000048  }
0xbe: {  	_ =	sfence  }
0xbf: {  	s30 =	sld [smem:$0x0];
	_ =	sdelay $0x2  }
0xc0: {  	s31 =	sshll.u32 s1, $0xD;
	s1 =	sshrl.u32 s1, $0x2  }
0xc1: {  	s3 =	sand.u32 $0x4000, s31;
	s1 =	sadd.s32 s1, s30  }
0xc2: {  	s0 =	sor.u32 s3, s0;
	s1 =	sshll.u32 s1, $0x11  }
0xc3: {  	s0 =	sor.u32 s1, s0  }
0xc4: {  	s0 =	sadd.s32 $0x8F2B, s0  }
0xc5: {  	[sflag:s0] =	ssyncadd.remote.s32 $0x1  }
0xc6: {  	_ =	sfence.sel $0xFFFF  }
0xc7: {  	[dreg:$0x0] =	wrdreg $0xFFFFFFFF;
	(pc) =	sbr.abs _section_cstart, $3  }
0xc8: {  	[dreg:$0x1] =	wrdreg $0xFFFFFFFF  }
0xc9: {  	_ =	task.clear_ibuf [dreg:s11], $0x2FFFF;
	_ =	strace $0x9FFFFFFF  }
0xca: {  	(tm) =	ssettm $0x7FFFFFFF  }
0xcb: {  	_ =	shalt  }
tec
execute0_lowered:
.L_overlay_start_1:
0x0: {  	(tag) =	ssettag $0x1  }
0x1: {  	s0 =	rddreg [dreg:$0x0]  }
0x2: {  	s4 =	rddreg [dreg:$0x1]  }
0x3: {  	s1 =	rddreg [dreg:$0x2]  }
0x4: {  	s2 =	rddreg [dreg:$0x3]  }
0x5: {  	s3 =	rddreg [dreg:$0x4]  }
0x6: {  	s7 =	rddreg [dreg:$0x5]  }
0x7: {  	s5 =	simm.s32 $0x0;
	s6 =	srdreg.scid;
	s9 =	stileid.u32  }
0x8: {  	s14 =	simm.s32 $0x200;
	s15 =	simm.s32 $0x80;
	s18 =	simm.s32 $0x280  }
0x9: {  	s19 =	simm.s32 $0x4400;
	s20 =	simm.s32 $0xC400;
	s30 =	simm.s32 $0x180  }
0xa: {  	s16 =	simm.s32 $0x1;
	s17 =	simm.s32 $0x2;
	s21 =	simm.s32 $0x3  }
0xb: {  	s23 =	simm.s32 $0x0;
	[smem:$0x7FF] =	sst s5;
	s6 =	sand.u32 $0x1, s6  }
0xc: {  	s9 =	sshll.u32 s9, $0x7;
	s8 =	ssub.s32 $0x2, s6;
	s10 =	sshll.u32 s6, $0x6  }
0xd: {  	_ =	strace $0x80000047;
	s11 =	sshrl.u32 s8, $0x1;
	s12 =	sor.u32 s10, s9  }
0xe: {  	s6 =	sadd.s32 $0x3200, s3;
	s13 =	ssub.s32 s8, s11;
	s28 =	sadd.s32 s0, s12  }
0xf: {  	s10 =	sor.u32 $0x10, s12;
	s29 =	sadd.s32 s4, s12;
	[dreg:$0x7] =	wrdreg s28  }
0x10: {  	s11 =	sadd.s32 s7, s12;
	[dreg:$0x8] =	wrdreg s29;
	s0 =	sadd.s32 s0, s10  }
0x11: {  	s31 =	sadd.s32 s4, s10;
	s12 =	smax.u32 s13, $0x1;
	[dreg:$0x9] =	wrdreg s0  }
0x12: {  	v0 =	vlaneseq.u32;
	s13 =	simm.s32 $0x4;
	[dreg:$0xa] =	wrdreg s31;
	s0 =	simm.s32 $0x380  }
.LBB2_1:
0x13: {  	s4 =	rddreg [dreg:$0x7]  }
0x14: {  	[tilespmem:s5], [sflag:$0x4] =	stream.linear.gather [hbm4b:s4+s5], $0x80, $0x38;
	[tilespmem:$0x10A00] =	vst v63  }
0x15: {  	_ =	swait.ge [sflag:s13], $0x80  }
0x16: {  	[sflag:s13] =	ssyncset.done $0x0  }
0x17: {  	s28 =	rddreg [dreg:$0x8];
	[sflag:s13] =	ssyncadd.s32 $0xFFFFFF80  }
0x18: {  	[tilespmem:s14], [sflag:$0x4] =	stream.linear.gather [hbm4b:s28+s5], $0x80, $0x38;
	[tilespmem:$0x10A00] =	vst v63  }
0x19: {  	_ =	swait.ge [sflag:s13], $0x80  }
0x1a: {  	[sflag:s13] =	ssyncset.done $0x0  }
0x1b: {  	s29 =	simm.s32 $0x400;
	[sflag:s13] =	ssyncadd.s32 $0xFFFFFF80  }
0x1c: {  	[tilespmem:s29], [sflag:$0x1] =	stream.indirect.gather [hbm4b:s1+s15], $0x80, s5, s15, $0xb8;
	[tilespmem:$0x10A00] =	vst v63  }
0x1d: {  	s31 =	simm.s32 $0x8400  }
0x1e: {  	[tilespmem:s31], [sflag:$0x1] =	stream.indirect.gather [hbm4b:s2+s15], $0x80, s14, s15, $0xb8;
	[tilespmem:$0x10A00] =	vst v63  }
0x1f: {  	s7 =	rddreg [dreg:$0x9]  }
0x20: {  	[tilespmem:s15], [sflag:$0x4] =	stream.linear.gather [hbm4b:s7+s5], $0x180, $0x38;
	[tilespmem:$0x10A00] =	vst v63  }
0x21: {  	_ =	swait.ge [sflag:s13], $0x180  }
0x22: {  	[sflag:s13] =	ssyncset.done $0x0  }
0x23: {  	s8 =	rddreg [dreg:$0xa];
	[sflag:s13] =	ssyncadd.s32 $0xFFFFFE80  }
0x24: {  	[tilespmem:s18], [sflag:$0x4] =	stream.linear.gather [hbm4b:s8+s5], $0x180, $0x38;
	[tilespmem:$0x10A00] =	vst v63  }
0x25: {  	_ =	swait.ge [sflag:s13], $0x180  }
0x26: {  	[sflag:s13] =	ssyncset.done $0x0  }
0x27: {  	[sflag:s13] =	ssyncadd.s32 $0xFFFFFE80  }
0x28: {  	[tilespmem:s19], [sflag:$0x2] =	stream.indirect.gather [hbm4b:s1+s15], $0x80, s15, s15, $0xb8;
	[tilespmem:$0x10A00] =	vst v63  }
0x29: {  	_ = 	snop  }
0x2a: {  	[tilespmem:s20], [sflag:$0x2] =	stream.indirect.gather [hbm4b:s2+s15], $0x80, s18, s15, $0xb8;
	[tilespmem:$0x10A00] =	vst v63  }
0x2b: {  	s9 =	simm.s32 $0x10400  }
0x2c: {  	[tilespmem:s9], [sflag:$0x3] =	stream.indirect.gather [hbm4b:s3+s15], $0x1, s5, s15, $0xb8;
	[tilespmem:$0x10A00] =	vst v63  }
0x2d: {  	s10 =	simm.s32 $0x10600  }
0x2e: {  	[tilespmem:s10], [sflag:$0x3] =	stream.indirect.gather [hbm4b:s6+s15], $0x1, s14, s15, $0xb8;
	[tilespmem:$0x10A00] =	vst v63  }
0x2f: {  	s22 =	simm.s32 $0x10480  }
0x30: {  	[tilespmem:s22], [sflag:$0x3] =	stream.indirect.gather [hbm4b:s3+s15], $0x1, s15, s15, $0xb8;
	[tilespmem:$0x10A00] =	vst v63  }
0x31: {  	s24 =	simm.s32 $0x10680  }
0x32: {  	[tilespmem:s24], [sflag:$0x3] =	stream.indirect.gather [hbm4b:s6+s15], $0x1, s18, s15, $0xb8;
	[tilespmem:$0x10A00] =	vst v63  }
0x33: {  	s25 =	simm.s32 $0x100;
	s7 =	simm.s32 $0x10500  }
0x34: {  	[tilespmem:s7], [sflag:$0x3] =	stream.indirect.gather [hbm4b:s3+s15], $0x1, s25, s15, $0xb8;
	[tilespmem:$0x10A00] =	vst v63  }
0x35: {  	s26 =	simm.s32 $0x300;
	s28 =	simm.s32 $0x10700  }
0x36: {  	[tilespmem:s28], [sflag:$0x3] =	stream.indirect.gather [hbm4b:s6+s15], $0x1, s26, s15, $0xb8;
	[tilespmem:$0x10A00] =	vst v63  }
0x37: {  	s29 =	simm.s32 $0x10580  }
0x38: {  	[tilespmem:s29], [sflag:$0x3] =	stream.indirect.gather [hbm4b:s3+s15], $0x1, s30, s15, $0xb8;
	[tilespmem:$0x10A00] =	vst v63  }
0x39: {  	p0 =	por $0x1, $0x1;
	s4 =	simm.s32 $0x0;
	s31 =	simm.s32 $0x10780  }
0x3a: {  	[tilespmem:s31], [sflag:$0x3] =	stream.indirect.gather [hbm4b:s6+s15], $0x1, s0, s15, $0xb8;
	[tilespmem:$0x10A00] =	vst v63  }
.LBB2_2:
0x3b: {  	_ =	swait.ge [sflag:s16], $0x4000  }
0x3c: {  	[sflag:s16] =	ssyncset.done $0x0  }
0x3d: {  	[sflag:s16] =	ssyncadd.s32 $0xFFFFC000  }
0x3e: {  	s24 =	sshra.s32 s4, $0x2;
	_ =	swait.ge [sflag:s16], $0x4000  }
0x3f: {  	s25 =	simm.s32 $0x0;
	s7 =	sadd.s32 $0x10800, s24;
	[sflag:s16] =	ssyncset.done $0x0  }
0x40: {  	s4 =	simm.s32 $0x8500;
	s22 =	simm.s32 $0x500;
	v1 =	vmov s7;
	[sflag:s16] =	ssyncadd.s32 $0xFFFFC000  }
.LBB2_3:
0x41: {  	v4 =	vld [tilespmem:s22+$0x70]  }
0x42: {  	v22 =	vld [tilespmem:s4+$0x70]  }
0x43: {  	v13 =	vld [tilespmem:s22+$0xFFFFFFF0]  }
0x44: {  	v25 =	vld [tilespmem:s4+$0xFFFFFFF0]  }
0x45: {  	v2 =	vld [tilespmem:s22+$0xE0]  }
0x46: {  	v3 =	vld [tilespmem:s22+$0xFFFFFF70]  }
0x47: {  	v31 =	vld [tilespmem:s22+$0x60]  }
0x48: {  	v46 =	vld [tilespmem:s4+$0x60]  }
0x49: {  	v47 =	vld [tilespmem:s22+$0xFFFFFFE0]  }
0x4a: {  	v48 =	vld [tilespmem:s4+$0xFFFFFFE0]  }
0x4b: {  	v5 =	vld [tilespmem:s22+$0xD0]  }
0x4c: {  	v6 =	vld [tilespmem:s22+$0xFFFFFF60]  }
0x4d: {  	v16 =	vld [tilespmem:s22+$0x50]  }
0x4e: {  	v19 =	vld [tilespmem:s4+$0x50]  }
0x4f: {  	v14 =	vld [tilespmem:s22+$0xFFFFFFD0]  }
0x50: {  	v15 =	vld [tilespmem:s4+$0xFFFFFFD0]  }
0x51: {  	v7 =	vld [tilespmem:s22+$0xC0]  }
0x52: {  	v8 =	vld [tilespmem:s22+$0xFFFFFF50]  }
0x53: {  	v18 =	vld [tilespmem:s22+$0x40]  }
0x54: {  	v20 =	vld [tilespmem:s4+$0x40]  }
0x55: {  	v11 =	vld [tilespmem:s22+$0xFFFFFFC0]  }
0x56: {  	v17 =	vld [tilespmem:s4+$0xFFFFFFC0]  }
0x57: {  	v9 =	vld [tilespmem:s22+$0xB0]  }
0x58: {  	v10 =	vld [tilespmem:s22+$0xFFFFFF40]  }
0x59: {  	v29 =	vld [tilespmem:s22+$0x30]  }
0x5a: {  	v30 =	vld [tilespmem:s4+$0x30]  }
0x5b: {  	v23 =	vld [tilespmem:s22+$0xFFFFFFB0]  }
0x5c: {  	v24 =	vld [tilespmem:s4+$0xFFFFFFB0]  }
0x5d: {  	v12 =	vld [tilespmem:s22+$0xA0]  }
0x5e: {  	v21 =	vld [tilespmem:s22+$0xFFFFFF30]  }
0x5f: {  	v34 =	vld [tilespmem:s22+$0x20]  }
0x60: {  	v35 =	vld [tilespmem:s4+$0x20]  }
0x61: {  	v32 =	vld [tilespmem:s22+$0xFFFFFFA0]  }
0x62: {  	v33 =	vld [tilespmem:s4+$0xFFFFFFA0]  }
0x63: {  	v26 =	vld [tilespmem:s22+$0x80]  }
0x64: {  	v27 =	vld [tilespmem:s4+$0x80]  }
0x65: {  	v28 =	vld [tilespmem:s22+$0x90]  }
0x66: {  	v43 =	vld [tilespmem:s22+$0x0]  }
0x67: {  	v44 =	vld [tilespmem:s4+$0x0]  }
0x68: {  	v45 =	vld [tilespmem:s22+$0x10]  }
0x69: {  	v49 =	vld [tilespmem:s4+$0x10]  }
0x6a: {  	v39 =	vld [tilespmem:s22+$0xFFFFFF80]  }
0x6b: {  	v40 =	vld [tilespmem:s4+$0xFFFFFF80]  }
0x6c: {  	v41 =	vld [tilespmem:s22+$0xFFFFFF90]  }
0x6d: {  	v42 =	vld [tilespmem:s4+$0xFFFFFF90]  }
0x6e: {  	v36 =	vld [tilespmem:s22+$0xFFFFFF00]  }
0x6f: {  	v37 =	vld [tilespmem:s4+$0xFFFFFF00];
	v13 =	vmul.f32 v25, v13;
	v22 =	vmul.f32 v22, v4  }
0x70: {  	v38 =	vld [tilespmem:s22+$0xFFFFFF10];
	s29 =	sshll.u32 s25, $0x4;
	s7 =	simm.s32 $0x4;
	v44 =	vmul.f32 v44, v43;
	v45 =	vmul.f32 v49, v45  }
0x71: {  	s28 =	smov.u32 s22;
	s26 =	smov.u32 s4;
	s31 =	simm.s32 $0x0;
	v4 =	vimm.f32 $0.0e+00;
	v43 =	vld [tilespmem:s4+$0xFFFFFF10];
	v25 =	vmul.f32 v48, v47;
	v31 =	vmul.f32 v46, v31  }
.LBB2_4:
0x72: {  	p1 =	slt.u32 s7, $0xC;
	v46 =	vld [tilespmem:s28+$0xFFFFFF20];
	v44 =	vadd.f32 v45, v44;
	v34 =	vmul.f32 v35, v34;
	v16 =	vmul.f32 v19, v16  }
0x73: {  	v35 =	vmul.f32 v40, v39;
	v39 =	vmul.f32 v42, v41;
	v19 =	vld [tilespmem:s26+$0xFFFFFF20]  }
0x74: {  	v14 =	vmul.f32 v15, v14;
	v29 =	vmul.f32 v30, v29;
	v15 =	vadd.f32 v34, v44;
	v30 =	vld [tilespmem:s26+$0x90]  }
0x75: {  	v32 =	vmul.f32 v33, v32;
	v18 =	vmul.f32 v20, v18;
	v35 =	vadd.f32 v39, v35;
	v34 =	vld [tilespmem:s26+$0xFFFFFF30]  }
0x76: {  	v20 =	vmul.f32 v37, v36;
	v33 =	vmul.f32 v43, v38;
	v15 =	vadd.f32 v29, v15;
	v29 =	vld [tilespmem:s26+$0xA0]  }
0x77: {  	v23 =	vmul.f32 v24, v23;
	v11 =	vmul.f32 v17, v11;
	v32 =	vadd.f32 v32, v35;
	v36 =	vld [tilespmem:s26+$0xFFFFFF40]  }
0x78: {  	v17 =	vadd.f32 v33, v20;
	v19 =	vmul.f32 v19, v46;
	v15 =	vadd.f32 v18, v15;
	v18 =	vld [tilespmem:s26+$0xB0]  }
0x79: {  	v24 =	vmul.f32 v27, v26;
	v23 =	vadd.f32 v23, v32;
	v20 =	vld [tilespmem:s26+$0xFFFFFF50];
	v26 =	vmul.f32 v30, v28  }
0x7a: {  	v17 =	vadd.f32 v19, v17;
	v19 =	vmul.f32 v34, v21;
	v15 =	vadd.f32 v16, v15;
	v16 =	vld [tilespmem:s26+$0xC0]  }
0x7b: {  	v11 =	vadd.f32 v11, v23;
	v21 =	vld [tilespmem:s26+$0xFFFFFF60];
	v23 =	vadd.f32 v26, v24;
	v12 =	vmul.f32 v29, v12  }
0x7c: {  	v17 =	vadd.f32 v19, v17;
	v10 =	vmul.f32 v36, v10;
	v15 =	vadd.f32 v31, v15;
	v19 =	vld [tilespmem:s26+$0xD0]  }
0x7d: {  	v11 =	vadd.f32 v14, v11;
	v24 =	vld [tilespmem:s26+$0xFFFFFF70];
	v12 =	vadd.f32 v12, v23;
	v9 =	vmul.f32 v18, v9  }
0x7e: {  	v10 =	vadd.f32 v10, v17;
	v8 =	vmul.f32 v20, v8;
	v14 =	vadd.f32 v22, v15;
	v15 =	vld [tilespmem:s26+$0xE0]  }
0x7f: {  	v11 =	vadd.f32 v25, v11;
	v9 =	vadd.f32 v9, v12;
	v7 =	vmul.f32 v16, v7;
	v12 =	vld [tilespmem:s28+$0xF0]  }
0x80: {  	s28 =	sadd.s32 $0x200, s28;
	v8 =	vadd.f32 v8, v10;
	v6 =	vmul.f32 v21, v6;
	v10 =	vld [tilespmem:s26+$0xF0];
	(xrf2) =	vadd.scan.msk.f32 $0xffff, v14  }
0x81: {  	v11 =	vadd.f32 v13, v11;
	s26 =	sadd.s32 $0x200, s26;
	v22 =	vld [tilespmem:s28+$0x70];
	v7 =	vadd.f32 v7, v9;
	v5 =	vmul.f32 v19, v5  }
0x82: {  	v25 =	vld [tilespmem:s26+$0x70];
	v6 =	vadd.f32 v6, v8;
	v3 =	vmul.f32 v24, v3  }
0x83: {  	v13 =	vld [tilespmem:s28+$0xFFFFFFF0];
	v5 =	vadd.f32 v5, v7;
	v7 =	vmul.f32 v15, v2;
	(xrf2) =	vadd.scan.msk.f32 $0xffff, v11  }
0x84: {  	v31 =	vld [tilespmem:s26+$0xFFFFFFF0];
	v6 =	vadd.f32 v3, v6  }
0x85: {  	v2 =	vld [tilespmem:s28+$0xE0];
	v5 =	vadd.f32 v7, v5;
	v7 =	vmul.f32 v10, v12  }
0x86: {  	v3 =	vld [tilespmem:s28+$0xFFFFFF70];
	(xrf2) =	vadd.scan.msk.f32 $0xffff, v6  }
0x87: {  	v46 =	vld [tilespmem:s28+$0x60];
	v5 =	vadd.f32 v7, v5  }
0x88: {  	v47 =	vld [tilespmem:s26+$0x60]  }
0x89: {  	v48 =	vld [tilespmem:s28+$0xFFFFFFE0];
	(xrf2) =	vadd.scan.msk.f32 $0xffff, v5  }
0x8a: {  	v49 =	vld [tilespmem:s26+$0xFFFFFFE0];
	v9, _, _ =	vpop (xrf2)  }
0x8b: {  	v5 =	vld [tilespmem:s28+$0xD0]  }
0x8c: {  	v6 =	vld [tilespmem:s28+$0xFFFFFF60]  }
0x8d: {  	v16 =	vld [tilespmem:s28+$0x50];
	v10, _, _ =	vpop (xrf2)  }
0x8e: {  	v19 =	vld [tilespmem:s26+$0x50]  }
0x8f: {  	v14 =	vld [tilespmem:s28+$0xFFFFFFD0]  }
0x90: {  	s8 =	sadd.s32 $0x2, s31;
	s9 =	sadd.s32 $0x3, s31;
	v11 =	vmov s31;
	v15 =	vld [tilespmem:s26+$0xFFFFFFD0];
	v8, _, _ =	vpop (xrf2)  }
0x91: {  	s10 =	sadd.s32 $0x1, s31;
	v17 =	vmov s8;
	v21 =	vmov s9;
	s31 =	smov.u32 s7;
	v7 =	vld [tilespmem:s28+$0xC0];
	v12 =	vbroadcast v8, $0xF  }
0x92: {  	v20 =	vmov s10;
	vm0 =	veq.s32 v11, v0;
	v10 =	vbroadcast v10, $0xF;
	v8 =	vld [tilespmem:s28+$0xFFFFFF50]  }
0x93: {  	v9 =	vbroadcast v9, $0xF;
	v18 =	vld [tilespmem:s28+$0x40];
	v4 =	vsel vm0, v12, v4;
	vm0 =	veq.s32 v20, v0;
	v11, _, _ =	vpop (xrf2)  }
0x94: {  	v20 =	vld [tilespmem:s26+$0x40];
	v4 =	vsel vm0, v10, v4;
	vm0 =	veq.s32 v17, v0;
	v10 =	vbroadcast v11, $0xF  }
0x95: {  	v11 =	vld [tilespmem:s28+$0xFFFFFFC0];
	v4 =	vsel vm0, v9, v4;
	vm0 =	veq.s32 v21, v0  }
0x96: {  	v17 =	vld [tilespmem:s26+$0xFFFFFFC0];
	v4 =	vsel vm0, v10, v4  }
0x97: {  	v9 =	vld [tilespmem:s28+$0xB0]  }
0x98: {  	v10 =	vld [tilespmem:s28+$0xFFFFFF40]  }
0x99: {  	v29 =	vld [tilespmem:s28+$0x30]  }
0x9a: {  	v30 =	vld [tilespmem:s26+$0x30]  }
0x9b: {  	v23 =	vld [tilespmem:s28+$0xFFFFFFB0]  }
0x9c: {  	v24 =	vld [tilespmem:s26+$0xFFFFFFB0]  }
0x9d: {  	v12 =	vld [tilespmem:s28+$0xA0]  }
0x9e: {  	v21 =	vld [tilespmem:s28+$0xFFFFFF30]  }
0x9f: {  	v34 =	vld [tilespmem:s28+$0x20]  }
0xa0: {  	v35 =	vld [tilespmem:s26+$0x20]  }
0xa1: {  	v32 =	vld [tilespmem:s28+$0xFFFFFFA0]  }
0xa2: {  	v33 =	vld [tilespmem:s26+$0xFFFFFFA0]  }
0xa3: {  	v26 =	vld [tilespmem:s28+$0x80]  }
0xa4: {  	v27 =	vld [tilespmem:s26+$0x80]  }
0xa5: {  	v28 =	vld [tilespmem:s28+$0x90]  }
0xa6: {  	v43 =	vld [tilespmem:s28+$0x0]  }
0xa7: {  	v44 =	vld [tilespmem:s26+$0x0]  }
0xa8: {  	v45 =	vld [tilespmem:s28+$0x10]  }
0xa9: {  	v50 =	vld [tilespmem:s26+$0x10]  }
0xaa: {  	v39 =	vld [tilespmem:s28+$0xFFFFFF80]  }
0xab: {  	v40 =	vld [tilespmem:s26+$0xFFFFFF80]  }
0xac: {  	v41 =	vld [tilespmem:s28+$0xFFFFFF90]  }
.Ltmp0:
0xad: {  	v42 =	vld [tilespmem:s26+$0xFFFFFF90];
	(pc) =	sbr.rel @p1 .LBB2_4-.Ltmp0, $4  }
0xae: {  	v36 =	vld [tilespmem:s28+$0xFFFFFF00]  }
0xaf: {  	v22 =	vmul.f32 v25, v22;
	v13 =	vmul.f32 v31, v13;
	v37 =	vld [tilespmem:s26+$0xFFFFFF00]  }
0xb0: {  	v44 =	vmul.f32 v44, v43;
	v45 =	vmul.f32 v50, v45;
	v38 =	vld [tilespmem:s28+$0xFFFFFF10]  }
0xb1: {  	s7 =	sadd.s32 $0x4, s7;
	v31 =	vmul.f32 v47, v46;
	v25 =	vmul.f32 v49, v48;
	v43 =	vld [tilespmem:s26+$0xFFFFFF10]  }
0xb2: {  	v46 =	vld [tilespmem:s28+$0xFFFFFF20];
	v34 =	vmul.f32 v35, v34;
	v16 =	vmul.f32 v19, v16  }
0xb3: {  	v54 =	vld [tilespmem:s26+$0xFFFFFF20];
	v55 =	vmul.f32 v40, v39;
	v56 =	vmul.f32 v42, v41  }
0xb4: {  	v57 =	vld [tilespmem:s26+$0x90];
	v14 =	vmul.f32 v15, v14;
	v29 =	vmul.f32 v30, v29  }
0xb5: {  	v59 =	vld [tilespmem:s26+$0xFFFFFF30];
	v32 =	vmul.f32 v33, v32;
	v18 =	vmul.f32 v20, v18  }
0xb6: {  	v44 =	vadd.f32 v45, v44;
	v63 =	vld [tilespmem:s26+$0xA0];
	v61 =	vmul.f32 v37, v36;
	v62 =	vmul.f32 v43, v38  }
0xb7: {  	v23 =	vmul.f32 v24, v23;
	v26 =	vmul.f32 v27, v26;
	v60 =	vadd.f32 v56, v55;
	v38 =	vld [tilespmem:s26+$0xFFFFFF40]  }
0xb8: {  	v41 =	vld [tilespmem:s26+$0xB0];
	v58 =	vadd.f32 v34, v44;
	v19 =	vmul.f32 v54, v46;
	v39 =	vadd.f32 v62, v61  }
0xb9: {  	v42 =	vld [tilespmem:s26+$0xFFFFFF50];
	v11 =	vmul.f32 v17, v11;
	v32 =	vadd.f32 v32, v60;
	v43 =	vmul.f32 v57, v28  }
0xba: {  	v15 =	vadd.f32 v29, v58;
	v45 =	vmul.f32 v59, v21;
	v46 =	vld [tilespmem:s26+$0xC0];
	v44 =	vadd.f32 v19, v39  }
0xbb: {  	v47 =	vld [tilespmem:s26+$0xFFFFFF60];
	v12 =	vmul.f32 v63, v12;
	v23 =	vadd.f32 v23, v32;
	v26 =	vadd.f32 v43, v26  }
0xbc: {  	v48 =	vld [tilespmem:s26+$0xD0];
	v15 =	vadd.f32 v18, v15;
	v10 =	vmul.f32 v38, v10;
	v17 =	vadd.f32 v45, v44  }
0xbd: {  	v49 =	vld [tilespmem:s26+$0xFFFFFF70];
	v9 =	vmul.f32 v41, v9;
	v11 =	vadd.f32 v11, v23;
	v12 =	vadd.f32 v12, v26  }
0xbe: {  	v50 =	vld [tilespmem:s26+$0xE0];
	v8 =	vmul.f32 v42, v8;
	v15 =	vadd.f32 v16, v15;
	v10 =	vadd.f32 v10, v17  }
0xbf: {  	v51 =	vld [tilespmem:s28+$0xF0];
	v11 =	vadd.f32 v14, v11;
	v7 =	vmul.f32 v46, v7;
	v9 =	vadd.f32 v9, v12  }
0xc0: {  	v53 =	vld [tilespmem:s26+$0xF0];
	v6 =	vmul.f32 v47, v6;
	v52 =	vadd.f32 v31, v15;
	v8 =	vadd.f32 v8, v10  }
0xc1: {  	v5 =	vmul.f32 v48, v5;
	v11 =	vadd.f32 v25, v11;
	v7 =	vadd.f32 v7, v9  }
0xc2: {  	v3 =	vmul.f32 v49, v3;
	v54 =	vadd.f32 v22, v52;
	v6 =	vadd.f32 v6, v8  }
0xc3: {  	v2 =	vmul.f32 v50, v2;
	v55 =	vadd.f32 v13, v11;
	v5 =	vadd.f32 v5, v7  }
0xc4: {  	(xrf2) =	vadd.scan.msk.f32 $0xffff, v54;
	v3 =	vadd.f32 v3, v6  }
0xc5: {  	v56 =	vmul.f32 v53, v51;
	(xrf2) =	vadd.scan.msk.f32 $0xffff, v55;
	v2 =	vadd.f32 v2, v5  }
0xc6: {  	(xrf2) =	vadd.scan.msk.f32 $0xffff, v3  }
0xc7: {  	v2 =	vadd.f32 v56, v2;
	_ =	sdelay $0x1  }
0xc8: {  	(xrf2) =	vadd.scan.msk.f32 $0xffff, v2;
	_ =	sdelay $0x4  }
0xc9: {  	v2, _, _ =	vpop (xrf2)  }
0xca: {  	s8 =	sadd.s32 $0x3, s31;
	v3, _, _ =	vpop (xrf2)  }
0xcb: {  	s7 =	sadd.s32 $0x2, s31;
	v60 =	vmov s8;
	v58, _, _ =	vpop (xrf2)  }
0xcc: {  	s9 =	sadd.s32 $0x1, s31;
	s25 =	sadd.s32 $0x1, s25;
	v57 =	vmov s31;
	v59 =	vmov s7;
	v6 =	vbroadcast v58, $0xF  }
0xcd: {  	p1 =	sne.s32 s25, $0x8;
	vm0 =	veq.s32 v57, v0;
	v61 =	vmov s9;
	v3 =	vbroadcast v3, $0xF  }
.Ltmp1:
0xce: {  	vm13 =	veq.s32 v61, v0;
	v2 =	vbroadcast v2, $0xF;
	v62, _, _ =	vpop (xrf2);
	v4 =	vsel vm0, v6, v4;
	(pc) =	sbr.rel @p1 .LBB2_3-.Ltmp1, $4  }
0xcf: {  	vm14 =	veq.s32 v59, v0;
	v63 =	vbroadcast v62, $0xF;
	v3 =	vsel vm13, v3, v4  }
0xd0: {  	vm15 =	veq.s32 v60, v0;
	v2 =	vsel vm14, v2, v3  }
0xd1: {  	v2 =	vsel vm15, v63, v2  }
0xd2: {  	s4 =	sadd.s32 $0x800, s4;
	s22 =	sadd.s32 $0x800, s22;
	[tilespmem:v1+s29+$0x0 ss:$0x1] =	vst.idx.msk $0xffff, v2  }
0xd3: {  	s4 =	simm.s32 @p0 $0x80;
	s7 =	simm.s32 @p0 $0x100;
	s8 =	simm.s32 @p0 $0x400  }
0xd4: {  	[tilespmem:s8], [sflag:$0x1] =	stream.indirect.gather @p0 [hbm4b:s1+s4], $0x80, s7, s4, $0xb8;
	[tilespmem:$0x10A00] =	vst v63  }
0xd5: {  	s7 =	simm.s32 @p0 $0x300;
	s8 =	simm.s32 @p0 $0x8400  }
0xd6: {  	[tilespmem:s8], [sflag:$0x1] =	stream.indirect.gather @p0 [hbm4b:s2+s4], $0x80, s7, s4, $0xb8;
	[tilespmem:$0x10A00] =	vst v63  }
0xd7: {  	_ =	swait.ge [sflag:s17], $0x4000  }
0xd8: {  	[sflag:s17] =	ssyncset.done $0x0  }
0xd9: {  	[sflag:s17] =	ssyncadd.s32 $0xFFFFC000  }
0xda: {  	_ =	swait.ge [sflag:s17], $0x4000  }
0xdb: {  	s31 =	sadd.s32 $0x10880, s24;
	[sflag:s17] =	ssyncset.done $0x0  }
0xdc: {  	s24 =	simm.s32 $0x0;
	s25 =	simm.s32 $0x0;
	v1 =	vmov s31;
	[sflag:s17] =	ssyncadd.s32 $0xFFFFC000  }
.LBB2_7:
0xdd: {  	s26 =	sshra.s32 s24, $0x2  }
0xde: {  	v4 =	vld [tilespmem:s26+$0x4570]  }
0xdf: {  	v26 =	vld [tilespmem:s26+$0xC570]  }
0xe0: {  	v13 =	vld [tilespmem:s26+$0x44F0]  }
0xe1: {  	v41 =	vld [tilespmem:s26+$0xC4F0]  }
0xe2: {  	v2 =	vld [tilespmem:s26+$0x45E0]  }
0xe3: {  	v3 =	vld [tilespmem:s26+$0x4470]  }
0xe4: {  	v11 =	vld [tilespmem:s26+$0x4560]  }
0xe5: {  	v12 =	vld [tilespmem:s26+$0xC560]  }
0xe6: {  	v17 =	vld [tilespmem:s26+$0x44E0]  }
0xe7: {  	v21 =	vld [tilespmem:s26+$0xC4E0]  }
0xe8: {  	v5 =	vld [tilespmem:s26+$0x45D0]  }
0xe9: {  	v6 =	vld [tilespmem:s26+$0x4460]  }
0xea: {  	v19 =	vld [tilespmem:s26+$0x4550]  }
0xeb: {  	v23 =	vld [tilespmem:s26+$0xC550]  }
0xec: {  	v16 =	vld [tilespmem:s26+$0x44D0]  }
0xed: {  	v18 =	vld [tilespmem:s26+$0xC4D0]  }
0xee: {  	v7 =	vld [tilespmem:s26+$0x45C0]  }
0xef: {  	v8 =	vld [tilespmem:s26+$0x4450]  }
0xf0: {  	v22 =	vld [tilespmem:s26+$0x4540]  }
0xf1: {  	v24 =	vld [tilespmem:s26+$0xC540]  }
0xf2: {  	v14 =	vld [tilespmem:s26+$0x44C0]  }
0xf3: {  	v20 =	vld [tilespmem:s26+$0xC4C0]  }
0xf4: {  	v9 =	vld [tilespmem:s26+$0x45B0]  }
0xf5: {  	v10 =	vld [tilespmem:s26+$0x4440]  }
0xf6: {  	v32 =	vld [tilespmem:s26+$0x4530]  }
0xf7: {  	v33 =	vld [tilespmem:s26+$0xC530]  }
0xf8: {  	v27 =	vld [tilespmem:s26+$0x44B0]  }
0xf9: {  	v28 =	vld [tilespmem:s26+$0xC4B0]  }
0xfa: {  	v15 =	vld [tilespmem:s26+$0x45A0]  }
0xfb: {  	v25 =	vld [tilespmem:s26+$0x4430]  }
0xfc: {  	v36 =	vld [tilespmem:s26+$0x4520]  }
0xfd: {  	v37 =	vld [tilespmem:s26+$0xC520]  }
0xfe: {  	v34 =	vld [tilespmem:s26+$0x44A0]  }
0xff: {  	v35 =	vld [tilespmem:s26+$0xC4A0]  }
0x100: {  	v29 =	vld [tilespmem:s26+$0x4580]  }
0x101: {  	v30 =	vld [tilespmem:s26+$0xC580]  }
0x102: {  	v31 =	vld [tilespmem:s26+$0x4590]  }
0x103: {  	v45 =	vld [tilespmem:s26+$0x4500]  }
0x104: {  	v46 =	vld [tilespmem:s26+$0xC500]  }
0x105: {  	v47 =	vld [tilespmem:s26+$0x4510]  }
0x106: {  	v48 =	vld [tilespmem:s26+$0xC510]  }
0x107: {  	v40 =	vld [tilespmem:s26+$0x4480]  }
0x108: {  	v42 =	vld [tilespmem:s26+$0xC480]  }
0x109: {  	v43 =	vld [tilespmem:s26+$0x4490]  }
0x10a: {  	v44 =	vld [tilespmem:s26+$0xC490]  }
0x10b: {  	v38 =	vld [tilespmem:s26+$0x4400]  }
0x10c: {  	s28 =	sshll.u32 s25, $0x4;
	v39 =	vld [tilespmem:s26+$0xC400];
	v13 =	vmul.f32 v41, v13;
	v26 =	vmul.f32 v26, v4  }
0x10d: {  	s4 =	simm.s32 $0x4;
	s7 =	smov.u32 s24;
	s29 =	simm.s32 $0x0;
	v4 =	vimm.f32 $0.0e+00;
	v41 =	vld [tilespmem:s26+$0x4410];
	v45 =	vmul.f32 v46, v45;
	v46 =	vmul.f32 v48, v47  }
.LBB2_8:
0x10e: {  	p1 =	slt.u32 s4, $0xC;
	v47 =	vld [tilespmem:s26+$0xC410];
	v17 =	vmul.f32 v21, v17;
	v11 =	vmul.f32 v12, v11  }
0x10f: {  	v36 =	vmul.f32 v37, v36;
	v19 =	vmul.f32 v23, v19;
	v12 =	vld [tilespmem:s26+$0x4420];
	v21 =	vadd.f32 v46, v45  }
0x110: {  	v37 =	vmul.f32 v42, v40;
	v40 =	vmul.f32 v44, v43;
	v23 =	vld [tilespmem:s26+$0xC420]  }
0x111: {  	v16 =	vmul.f32 v18, v16;
	v18 =	vadd.f32 v36, v21;
	v21 =	vmul.f32 v33, v32;
	v32 =	vld [tilespmem:s26+$0xC590]  }
0x112: {  	v34 =	vmul.f32 v35, v34;
	v22 =	vmul.f32 v24, v22;
	v36 =	vadd.f32 v40, v37;
	v33 =	vld [tilespmem:s26+$0xC430]  }
0x113: {  	v24 =	vmul.f32 v39, v38;
	v35 =	vmul.f32 v47, v41;
	v18 =	vadd.f32 v21, v18;
	v21 =	vld [tilespmem:s26+$0xC5A0]  }
0x114: {  	v27 =	vmul.f32 v28, v27;
	v14 =	vmul.f32 v20, v14;
	v34 =	vadd.f32 v34, v36;
	v37 =	vld [tilespmem:s26+$0xC440]  }
0x115: {  	v20 =	vadd.f32 v35, v24;
	v12 =	vmul.f32 v23, v12;
	v18 =	vadd.f32 v22, v18;
	v22 =	vld [tilespmem:s26+$0xC5B0]  }
0x116: {  	v24 =	vadd.f32 v27, v34;
	v27 =	vmul.f32 v30, v29;
	v23 =	vld [tilespmem:s26+$0xC450];
	v28 =	vmul.f32 v32, v31  }
0x117: {  	v12 =	vadd.f32 v12, v20;
	v20 =	vmul.f32 v33, v25;
	v18 =	vadd.f32 v19, v18;
	v19 =	vld [tilespmem:s26+$0xC5C0]  }
0x118: {  	v14 =	vadd.f32 v14, v24;
	v25 =	vld [tilespmem:s26+$0xC460];
	v24 =	vadd.f32 v28, v27;
	v15 =	vmul.f32 v21, v15  }
0x119: {  	v12 =	vadd.f32 v20, v12;
	v10 =	vmul.f32 v37, v10;
	v11 =	vadd.f32 v11, v18;
	v18 =	vld [tilespmem:s26+$0xC5D0]  }
0x11a: {  	v14 =	vadd.f32 v16, v14;
	v20 =	vld [tilespmem:s26+$0xC470];
	v15 =	vadd.f32 v15, v24;
	v9 =	vmul.f32 v22, v9  }
0x11b: {  	v10 =	vadd.f32 v10, v12;
	v8 =	vmul.f32 v23, v8;
	v11 =	vadd.f32 v26, v11;
	v12 =	vld [tilespmem:s26+$0xC5E0]  }
0x11c: {  	s7 =	sadd.s32 $0x800, s7;
	v14 =	vadd.f32 v17, v14;
	v9 =	vadd.f32 v9, v15;
	v7 =	vmul.f32 v19, v7;
	v15 =	vld [tilespmem:s26+$0x45F0]  }
0x11d: {  	v8 =	vadd.f32 v8, v10;
	v6 =	vmul.f32 v25, v6;
	v10 =	vld [tilespmem:s26+$0xC5F0];
	s26 =	sshra.s32 s7, $0x2;
	(xrf2) =	vadd.scan.msk.f32 $0xffff, v11  }
0x11e: {  	v11 =	vadd.f32 v13, v14;
	v26 =	vld [tilespmem:s26+$0x4570];
	v7 =	vadd.f32 v7, v9;
	v5 =	vmul.f32 v18, v5  }
0x11f: {  	v41 =	vld [tilespmem:s26+$0xC570];
	v6 =	vadd.f32 v6, v8;
	v3 =	vmul.f32 v20, v3  }
0x120: {  	v13 =	vld [tilespmem:s26+$0x44F0];
	v5 =	vadd.f32 v5, v7;
	v7 =	vmul.f32 v12, v2;
	(xrf2) =	vadd.scan.msk.f32 $0xffff, v11  }
0x121: {  	v45 =	vld [tilespmem:s26+$0xC4F0];
	v6 =	vadd.f32 v3, v6  }
0x122: {  	v2 =	vld [tilespmem:s26+$0x45E0];
	v5 =	vadd.f32 v7, v5;
	v7 =	vmul.f32 v10, v15  }
0x123: {  	v3 =	vld [tilespmem:s26+$0x4470];
	(xrf2) =	vadd.scan.msk.f32 $0xffff, v6  }
0x124: {  	v11 =	vld [tilespmem:s26+$0x4560];
	v5 =	vadd.f32 v7, v5  }
0x125: {  	v12 =	vld [tilespmem:s26+$0xC560]  }
0x126: {  	v17 =	vld [tilespmem:s26+$0x44E0];
	(xrf2) =	vadd.scan.msk.f32 $0xffff, v5  }
0x127: {  	v21 =	vld [tilespmem:s26+$0xC4E0];
	v9, _, _ =	vpop (xrf2)  }
0x128: {  	v5 =	vld [tilespmem:s26+$0x45D0]  }
0x129: {  	v6 =	vld [tilespmem:s26+$0x4460]  }
0x12a: {  	v19 =	vld [tilespmem:s26+$0x4550];
	v10, _, _ =	vpop (xrf2)  }
0x12b: {  	v23 =	vld [tilespmem:s26+$0xC550]  }
0x12c: {  	v16 =	vld [tilespmem:s26+$0x44D0]  }
0x12d: {  	s8 =	sadd.s32 $0x2, s29;
	s9 =	sadd.s32 $0x3, s29;
	v14 =	vmov s29;
	v18 =	vld [tilespmem:s26+$0xC4D0];
	v8, _, _ =	vpop (xrf2)  }
0x12e: {  	s10 =	sadd.s32 $0x1, s29;
	v25 =	vmov s9;
	s29 =	smov.u32 s4;
	v20 =	vmov s8;
	v7 =	vld [tilespmem:s26+$0x45C0];
	v15 =	vbroadcast v8, $0xF  }
0x12f: {  	v24 =	vmov s10;
	vm0 =	veq.s32 v14, v0;
	v10 =	vbroadcast v10, $0xF;
	v8 =	vld [tilespmem:s26+$0x4450]  }
0x130: {  	v9 =	vbroadcast v9, $0xF;
	v22 =	vld [tilespmem:s26+$0x4540];
	v4 =	vsel vm0, v15, v4;
	vm0 =	veq.s32 v24, v0;
	v14, _, _ =	vpop (xrf2)  }
0x131: {  	v24 =	vld [tilespmem:s26+$0xC540];
	v4 =	vsel vm0, v10, v4;
	vm0 =	veq.s32 v20, v0;
	v10 =	vbroadcast v14, $0xF  }
0x132: {  	v14 =	vld [tilespmem:s26+$0x44C0];
	v4 =	vsel vm0, v9, v4;
	vm0 =	veq.s32 v25, v0  }
0x133: {  	v20 =	vld [tilespmem:s26+$0xC4C0];
	v4 =	vsel vm0, v10, v4  }
0x134: {  	v9 =	vld [tilespmem:s26+$0x45B0]  }
0x135: {  	v10 =	vld [tilespmem:s26+$0x4440]  }
0x136: {  	v32 =	vld [tilespmem:s26+$0x4530]  }
0x137: {  	v33 =	vld [tilespmem:s26+$0xC530]  }
0x138: {  	v27 =	vld [tilespmem:s26+$0x44B0]  }
0x139: {  	v28 =	vld [tilespmem:s26+$0xC4B0]  }
0x13a: {  	v15 =	vld [tilespmem:s26+$0x45A0]  }
0x13b: {  	v25 =	vld [tilespmem:s26+$0x4430]  }
0x13c: {  	v36 =	vld [tilespmem:s26+$0x4520]  }
0x13d: {  	v37 =	vld [tilespmem:s26+$0xC520]  }
0x13e: {  	v34 =	vld [tilespmem:s26+$0x44A0]  }
0x13f: {  	v35 =	vld [tilespmem:s26+$0xC4A0]  }
0x140: {  	v29 =	vld [tilespmem:s26+$0x4580]  }
0x141: {  	v30 =	vld [tilespmem:s26+$0xC580]  }
0x142: {  	v31 =	vld [tilespmem:s26+$0x4590]  }
0x143: {  	v46 =	vld [tilespmem:s26+$0x4500]  }
0x144: {  	v47 =	vld [tilespmem:s26+$0xC500]  }
0x145: {  	v48 =	vld [tilespmem:s26+$0x4510]  }
0x146: {  	v49 =	vld [tilespmem:s26+$0xC510]  }
0x147: {  	v40 =	vld [tilespmem:s26+$0x4480]  }
0x148: {  	v42 =	vld [tilespmem:s26+$0xC480]  }
.Ltmp2:
0x149: {  	v43 =	vld [tilespmem:s26+$0x4490];
	(pc) =	sbr.rel @p1 .LBB2_8-.Ltmp2, $4  }
0x14a: {  	v44 =	vld [tilespmem:s26+$0xC490]  }
0x14b: {  	v38 =	vld [tilespmem:s26+$0x4400]  }
0x14c: {  	v26 =	vmul.f32 v41, v26;
	v13 =	vmul.f32 v45, v13;
	v39 =	vld [tilespmem:s26+$0xC400]  }
0x14d: {  	s4 =	sadd.s32 $0x4, s4;
	v45 =	vmul.f32 v47, v46;
	v46 =	vmul.f32 v49, v48;
	v41 =	vld [tilespmem:s26+$0x4410]  }
0x14e: {  	v47 =	vld [tilespmem:s26+$0xC410];
	v17 =	vmul.f32 v21, v17;
	v11 =	vmul.f32 v12, v11  }
0x14f: {  	v49 =	vld [tilespmem:s26+$0x4420];
	v36 =	vmul.f32 v37, v36;
	v19 =	vmul.f32 v23, v19  }
0x150: {  	v51 =	vld [tilespmem:s26+$0xC420];
	v52 =	vmul.f32 v42, v40;
	v16 =	vmul.f32 v18, v16  }
0x151: {  	v54 =	vld [tilespmem:s26+$0xC590];
	v56 =	vmul.f32 v33, v32;
	v34 =	vmul.f32 v35, v34  }
0x152: {  	v57 =	vld [tilespmem:s26+$0xC430];
	v22 =	vmul.f32 v24, v22;
	v53 =	vmul.f32 v44, v43  }
0x153: {  	v61 =	vld [tilespmem:s26+$0xC5A0];
	v50 =	vadd.f32 v46, v45;
	v59 =	vmul.f32 v39, v38;
	v60 =	vmul.f32 v47, v41  }
0x154: {  	v62 =	vld [tilespmem:s26+$0xC440];
	v63 =	vmul.f32 v28, v27;
	v29 =	vmul.f32 v30, v29;
	v58 =	vadd.f32 v53, v52  }
0x155: {  	v40 =	vld [tilespmem:s26+$0xC5B0];
	v55 =	vadd.f32 v36, v50;
	v12 =	vmul.f32 v51, v49;
	v39 =	vadd.f32 v60, v59  }
0x156: {  	v14 =	vmul.f32 v20, v14;
	v43 =	vld [tilespmem:s26+$0xC450];
	v41 =	vadd.f32 v34, v58;
	v44 =	vmul.f32 v54, v31  }
0x157: {  	v46 =	vld [tilespmem:s26+$0xC5C0];
	v18 =	vadd.f32 v56, v55;
	v45 =	vmul.f32 v57, v25;
	v12 =	vadd.f32 v12, v39  }
0x158: {  	v47 =	vld [tilespmem:s26+$0xC460];
	v15 =	vmul.f32 v61, v15;
	v24 =	vadd.f32 v63, v41;
	v48 =	vadd.f32 v44, v29  }
0x159: {  	v10 =	vmul.f32 v62, v10;
	v49 =	vld [tilespmem:s26+$0xC5D0];
	v18 =	vadd.f32 v22, v18;
	v12 =	vadd.f32 v45, v12  }
0x15a: {  	v50 =	vld [tilespmem:s26+$0xC470];
	v9 =	vmul.f32 v40, v9;
	v14 =	vadd.f32 v14, v24;
	v15 =	vadd.f32 v15, v48  }
0x15b: {  	v51 =	vld [tilespmem:s26+$0xC5E0];
	v8 =	vmul.f32 v43, v8;
	v18 =	vadd.f32 v19, v18;
	v10 =	vadd.f32 v10, v12  }
0x15c: {  	v52 =	vld [tilespmem:s26+$0x45F0];
	v7 =	vmul.f32 v46, v7;
	v14 =	vadd.f32 v16, v14;
	v9 =	vadd.f32 v9, v15  }
0x15d: {  	v53 =	vld [tilespmem:s26+$0xC5F0];
	v6 =	vmul.f32 v47, v6;
	v11 =	vadd.f32 v11, v18;
	v8 =	vadd.f32 v8, v10  }
0x15e: {  	v5 =	vmul.f32 v49, v5;
	v14 =	vadd.f32 v17, v14;
	v7 =	vadd.f32 v7, v9  }
0x15f: {  	v3 =	vmul.f32 v50, v3;
	v54 =	vadd.f32 v26, v11;
	v6 =	vadd.f32 v6, v8  }
0x160: {  	v2 =	vmul.f32 v51, v2;
	v55 =	vadd.f32 v13, v14;
	v5 =	vadd.f32 v5, v7  }
0x161: {  	(xrf2) =	vadd.scan.msk.f32 $0xffff, v54;
	v3 =	vadd.f32 v3, v6  }
0x162: {  	v56 =	vmul.f32 v53, v52;
	(xrf2) =	vadd.scan.msk.f32 $0xffff, v55;
	v2 =	vadd.f32 v2, v5  }
0x163: {  	(xrf2) =	vadd.scan.msk.f32 $0xffff, v3  }
0x164: {  	v2 =	vadd.f32 v56, v2;
	_ =	sdelay $0x1  }
0x165: {  	(xrf2) =	vadd.scan.msk.f32 $0xffff, v2;
	_ =	sdelay $0x4  }
0x166: {  	v2, _, _ =	vpop (xrf2)  }
0x167: {  	v3, _, _ =	vpop (xrf2)  }
0x168: {  	s8 =	sadd.s32 $0x1, s29;
	v57 =	vmov s29;
	v58, _, _ =	vpop (xrf2)  }
0x169: {  	s4 =	sadd.s32 $0x2, s29;
	s25 =	sadd.s32 $0x1, s25;
	v61 =	vmov s8;
	vm0 =	veq.s32 v57, v0;
	v6 =	vbroadcast v58, $0xF  }
0x16a: {  	s7 =	sadd.s32 $0x3, s29;
	p1 =	sne.s32 s25, $0x8;
	vm13 =	veq.s32 v61, v0;
	v59 =	vmov s4;
	v3 =	vbroadcast v3, $0xF  }
.Ltmp3:
0x16b: {  	v60 =	vmov s7;
	v2 =	vbroadcast v2, $0xF;
	v62, _, _ =	vpop (xrf2);
	v4 =	vsel vm0, v6, v4;
	(pc) =	sbr.rel @p1 .LBB2_7-.Ltmp3, $4  }
0x16c: {  	vm14 =	veq.s32 v59, v0;
	v63 =	vbroadcast v62, $0xF;
	v3 =	vsel vm13, v3, v4  }
0x16d: {  	vm15 =	veq.s32 v60, v0;
	v2 =	vsel vm14, v2, v3  }
0x16e: {  	v2 =	vsel vm15, v63, v2  }
0x16f: {  	s24 =	sadd.s32 $0x2000, s24;
	[tilespmem:v1+s28+$0x0 ss:$0x1] =	vst.idx.msk $0xffff, v2  }
.Ltmp4:
0x170: {  	(pc) =	sbr.rel @!p0 .LBB2_12-.Ltmp4, $1  }
0x171: {  	_ =	sdelay $0x3  }
.Ltmp5:
0x172: {  	(pc) =	sbr.rel .LBB2_2-.Ltmp5, $4  }
0x173: {  	_ = 	snop  }
0x174: {  	[tilespmem:s19], [sflag:$0x2] =	stream.indirect.gather [hbm4b:s1+s15], $0x80, s30, s15, $0xb8;
	[tilespmem:$0x10A00] =	vst v63  }
0x175: {  	s4 =	simm.s32 $0x400;
	p0 =	por $0x0, $0x0  }
0x176: {  	[tilespmem:s20], [sflag:$0x2] =	stream.indirect.gather [hbm4b:s2+s15], $0x80, s0, s15, $0xb8;
	[tilespmem:$0x10A00] =	vst v63  }
.LBB2_12:
0x177: {  	_ =	swait.ge [sflag:s21], $0x80  }
0x178: {  	[sflag:s21] =	ssyncset.done $0x0  }
0x179: {  	[sflag:s21] =	ssyncadd.s32 $0xFFFFFF80  }
0x17a: {  	_ =	swait.ge [sflag:s21], $0x80  }
0x17b: {  	[sflag:s21] =	ssyncset.done $0x0  }
0x17c: {  	[sflag:s21] =	ssyncadd.s32 $0xFFFFFF80  }
0x17d: {  	_ =	swait.ge [sflag:s21], $0x80  }
0x17e: {  	[sflag:s21] =	ssyncset.done $0x0  }
0x17f: {  	[sflag:s21] =	ssyncadd.s32 $0xFFFFFF80  }
0x180: {  	_ =	swait.ge [sflag:s21], $0x80  }
0x181: {  	[sflag:s21] =	ssyncset.done $0x0  }
0x182: {  	[sflag:s21] =	ssyncadd.s32 $0xFFFFFF80  }
0x183: {  	_ =	swait.ge [sflag:s21], $0x80  }
0x184: {  	[sflag:s21] =	ssyncset.done $0x0  }
0x185: {  	[sflag:s21] =	ssyncadd.s32 $0xFFFFFF80  }
0x186: {  	_ =	swait.ge [sflag:s21], $0x80  }
0x187: {  	[sflag:s21] =	ssyncset.done $0x0  }
0x188: {  	[sflag:s21] =	ssyncadd.s32 $0xFFFFFF80  }
0x189: {  	_ =	swait.ge [sflag:s21], $0x80  }
0x18a: {  	[sflag:s21] =	ssyncset.done $0x0  }
0x18b: {  	[sflag:s21] =	ssyncadd.s32 $0xFFFFFF80  }
0x18c: {  	_ =	swait.ge [sflag:s21], $0x80  }
0x18d: {  	[sflag:s21] =	ssyncset.done $0x0  }
0x18e: {  	s4 =	simm.s32 $0x0;
	[sflag:s21] =	ssyncadd.s32 $0xFFFFFF80  }
0x18f: {  	s7 =	simm.s32 $0x40;
	v1 =	vld [tilespmem:s4+$0x10400]  }
.LBB2_13:
0x190: {  	p0 =	sne.s32 s7, $0x7C0;
	v2 =	vld [tilespmem:s4+$0x10800];
	_ =	sdelay $0x1  }
0x191: {  	v3 =	vld [tilespmem:s4+$0x10600];
	_ =	sdelay $0x2  }
0x192: {  	v1 =	vadd.f32 v1, v2;
	_ =	sdelay $0x1  }
0x193: {  	v1 =	vadd.f32 v3, v1;
	_ =	sdelay $0x1  }
0x194: {  	v1 =	vsub.f32 $0.0e+00, v1;
	_ =	sdelay $0x1  }
0x195: {  	v1 =	vmul.f32 $1.442695020e+00, v1;
	_ =	sdelay $0x1  }
0x196: {  	(erf) = vpow2.f32 v1;
	_ =	sdelay $0x8  }
0x197: {  	v1 =	vpop (erf)  }
0x198: {  	v1 =	vadd.f32 $1.000000000e+00, v1;
	_ =	sdelay $0x1  }
0x199: {  	(erf) = vrcp.f32 v1;
	_ =	sdelay $0x5  }
.Ltmp6:
0x19a: {  	(pc) =	sbr.rel @p0 .LBB2_13-.Ltmp6, $3  }
0x19b: {  	_ =	sdelay $0x1  }
0x19c: {  	s8 =	sshra.s32 s7, $0x2;
	v2 =	vpop (erf)  }
0x19d: {  	s7 =	sadd.s32 $0x40, s7;
	v1 =	vld [tilespmem:s8+$0x10400];
	[tilespmem:s4+$0x10800] =	vst v2;
	s4 =	smov.u32 s8  }
0x19e: {  	v2 =	vld [tilespmem:s4+$0x10800];
	_ =	sdelay $0x1  }
0x19f: {  	v3 =	vld [tilespmem:s4+$0x10600];
	_ =	sdelay $0x2  }
0x1a0: {  	v1 =	vadd.f32 v1, v2;
	_ =	sdelay $0x1  }
0x1a1: {  	v1 =	vadd.f32 v3, v1;
	_ =	sdelay $0x1  }
0x1a2: {  	v1 =	vsub.f32 $0.0e+00, v1;
	_ =	sdelay $0x1  }
0x1a3: {  	v1 =	vmul.f32 $1.442695020e+00, v1;
	_ =	sdelay $0x1  }
0x1a4: {  	(erf) = vpow2.f32 v1;
	_ =	sdelay $0x8  }
0x1a5: {  	v1 =	vpop (erf)  }
0x1a6: {  	v1 =	vadd.f32 $1.000000000e+00, v1;
	_ =	sdelay $0x1  }
0x1a7: {  	(erf) = vrcp.f32 v1;
	_ =	sdelay $0x7  }
0x1a8: {  	s23 =	sadd.s32 $0x1, s23  }
0x1a9: {  	p0 =	sne.s32 s23, s12;
	v1 =	vpop (erf)  }
.Ltmp7:
0x1aa: {  	s31 =	simm.s32 $0x10800;
	[tilespmem:s4+$0x10800] =	vst v1;
	(pc) =	sbr.rel @p0 .LBB2_1-.Ltmp7, $4  }
0x1ab: {  	[hbm4b:s11+s5] =	stream.linear.scatter [tilespmem:s31], [sflag:$0x4], $0x200, $0x38;
	[tilespmem:$0x10A00] =	vst v63  }
0x1ac: {  	_ =	swait.ge [sflag:s13], $0x200  }
0x1ad: {  	[sflag:s13] =	ssyncset.done $0x0  }
0x1ae: {  	[sflag:s13] =	ssyncadd.s32 $0xFFFFFE00  }
0x1af: {  	_ =	sfence.sel $0x180000  }
0x1b0: {  	[bflag:$0x0] =	sbarrier.arrive $0xFFFF  }
0x1b1: {  	_ =	strace $0x90000047  }
0x1b2: {  	s0 =	stileid.u32;
	[bflag:$0x2] =	sbarrier.arrive $0xFFFF  }
0x1b3: {  	p0 =	sne.s32 s0, $0x0;
	s0 =	rddreg [dreg:$0x6]  }
0x1b4: {  	s0 =	sadd.s32 @!p0 $0x100000, s0  }
0x1b5: {  	[sflag:s0] =	ssyncadd.tile.s32 @!p0 $0x1;
	_ =	shalt  }
.Lfunc_end2:
_tile_overlayer_lowered:
.L_overlay_start_2:
0x1b6: {  	(tag) =	ssettag $0x2  }
0x1b7: {  	s0 =	rddreg [dreg:$0x0];
	s2 =	stileid.u32  }
0x1b8: {  	s1 =	rddreg [dreg:$0x1];
	p0 =	sne.s32 s2, $0x0  }
0x1b9: {  	s3 =	rddreg [dreg:$0x2];
	[bflag:$0x3] =	sbarrier.arrive $0xFFFF;
	s2 =	simm.s32 @!p0 $0x1C04  }
0x1ba: {  	[timem:s3], [sflag:s2] =	dma.local @!p0 [hbm:s0], s1  }
0x1bb: {  	s0 =	simm.s32 @!p0 $0x4  }
0x1bc: {  	_ =	swait.ge @!p0 [sflag:s0], s1  }
0x1bd: {  	s1 =	ssub.s32 @!p0 $0x0, s1;
	[sflag:s0] =	ssyncset.done @!p0 $0x0  }
0x1be: {  	[sflag:s0] =	ssyncadd.s32 @!p0 s1  }
0x1bf: {  	[bflag:$0x3] =	sbarrier.arrive $0xFFFF  }
0x1c0: {  	_ =	shalt  }

</sc_bundles>
